<compile_context>
chip_gen: v7x
topology: tpu7x:2x2x1
jax: 0.10.2.dev20260603
libtpu: 0.0.44.dev20260713+nightly
codegen_flags: <defaults>
</compile_context>

<pallas_src>
import jax
import jax.numpy as jnp
from jax import lax
from jax.experimental import pallas as pl
from jax.experimental.pallas import tpu as pltpu
from jax.experimental.pallas import tpu_sc as plsc

NUM_ENTITY = 1000000
NUM_RELATION = 1000
EMBED_DIM = 64
MARGIN = 1.0
NEG_SAMPLES = 2
BATCH = 4096

_INFO = plsc.get_sparse_core_info()
_NC = _INFO.num_cores
_NS = _INFO.num_subcores
_L = _INFO.num_lanes
_NW = _NC * _NS
_PPW = BATCH // _NW
_NPW = _PPW * NEG_SAMPLES


def _tec_body(pos_h, pos_r, pos_t, neg_h, neg_r, neg_t, ent, rel, out,
              i_ph, i_pt, i_pr, i_nh0, i_nh1, i_nt0, i_nt1, i_nr0, i_nr1,
              r_ph, r_pt, r_pr, r_nh0, r_nh1, r_nt0, r_nt1, r_nr0, r_nr1,
              shared, tmp, stage, sem):
    cid = lax.axis_index("c")
    sid = lax.axis_index("s")
    wid = sid * _NC + cid
    pbase = wid * _PPW
    nbase = wid * _NPW

    cps = [
        pltpu.async_copy(pos_h.at[pl.ds(pbase, _PPW)], i_ph, sem),
        pltpu.async_copy(pos_t.at[pl.ds(pbase, _PPW)], i_pt, sem),
        pltpu.async_copy(pos_r.at[pl.ds(pbase, _PPW)], i_pr, sem),
        pltpu.async_copy(neg_h.at[pl.ds(nbase, _PPW)], i_nh0, sem),
        pltpu.async_copy(neg_h.at[pl.ds(nbase + _PPW, _PPW)], i_nh1, sem),
        pltpu.async_copy(neg_t.at[pl.ds(nbase, _PPW)], i_nt0, sem),
        pltpu.async_copy(neg_t.at[pl.ds(nbase + _PPW, _PPW)], i_nt1, sem),
        pltpu.async_copy(neg_r.at[pl.ds(nbase, _PPW)], i_nr0, sem),
        pltpu.async_copy(neg_r.at[pl.ds(nbase + _PPW, _PPW)], i_nr1, sem),
    ]
    for c in cps:
        c.wait()

    cps = [
        pltpu.async_copy(ent.at[i_ph], r_ph, sem),
        pltpu.async_copy(ent.at[i_pt], r_pt, sem),
        pltpu.async_copy(rel.at[i_pr], r_pr, sem),
        pltpu.async_copy(ent.at[i_nh0], r_nh0, sem),
        pltpu.async_copy(ent.at[i_nh1], r_nh1, sem),
        pltpu.async_copy(ent.at[i_nt0], r_nt0, sem),
        pltpu.async_copy(ent.at[i_nt1], r_nt1, sem),
        pltpu.async_copy(rel.at[i_nr0], r_nr0, sem),
        pltpu.async_copy(rel.at[i_nr1], r_nr1, sem),
    ]
    for c in cps:
        c.wait()

    lane = lax.iota(jnp.int32, _L)
    zero = jnp.zeros((_L,), jnp.float32)

    def make_body(nh, nt, nr, off):
        def body(i, loss):
            j = 2 * (i - off)
            v = zero
            for c in range(EMBED_DIM // _L):
                sl = pl.ds(c * _L, _L)
                v = v + jnp.abs(r_ph[i, sl] + r_pr[i, sl] - r_pt[i, sl])
                v = v - 0.5 * jnp.abs(nh[j, sl] + nr[j, sl] - nt[j, sl])
                v = v - 0.5 * jnp.abs(nh[j + 1, sl] + nr[j + 1, sl]
                                      - nt[j + 1, sl])
            s = jnp.sum(v)
            return loss + jnp.maximum(s + MARGIN, 0.0)
        return body

    half = _PPW // 2
    loss = lax.fori_loop(0, half, make_body(r_nh0, r_nt0, r_nr0, 0), 0.0)
    loss = lax.fori_loop(half, _PPW,
                         make_body(r_nh1, r_nt1, r_nr1, half), loss)
    loss_acc = jnp.where(lane == 0, loss, 0.0)

    stage[...] = loss_acc
    pltpu.sync_copy(stage, shared.at[sid])
    plsc.subcore_barrier()

    @pl.when(sid == 0)
    def _():
        pltpu.sync_copy(shared, tmp)
        acc = jnp.zeros((_L,), jnp.float32)
        for w in range(_NS):
            acc = acc + tmp[w]
        total = jnp.sum(acc)
        stage[...] = jnp.full((_L,), total, jnp.float32)
        pltpu.sync_copy(stage, out.at[cid])


@jax.jit
def _transe_loss(pos_h, pos_r, pos_t, neg_h, neg_r, neg_t, ent, rel):
    mesh = plsc.VectorSubcoreMesh(core_axis_name="c", subcore_axis_name="s")
    idx_t = pltpu.VMEM((_PPW,), jnp.int32)
    row_t = pltpu.VMEM((_PPW, EMBED_DIM), jnp.float32)
    out = pl.kernel(
        _tec_body,
        out_type=jax.ShapeDtypeStruct((_NC, _L), jnp.float32),
        mesh=mesh,
        compiler_params=pltpu.CompilerParams(
            needs_layout_passes=False, use_tc_tiling_on_sc=False),
        scratch_types=[
            idx_t, idx_t, idx_t, idx_t, idx_t, idx_t, idx_t, idx_t, idx_t,
            row_t, row_t, row_t, row_t, row_t, row_t, row_t, row_t, row_t,
            pltpu.VMEM_SHARED((_NS, _L), jnp.float32),
            pltpu.VMEM((_NS, _L), jnp.float32),
            pltpu.VMEM((_L,), jnp.float32),
            pltpu.SemaphoreType.DMA,
        ],
    )(pos_h, pos_r, pos_t, neg_h, neg_r, neg_t, ent, rel)
    return out[0, 0] + out[1, 0]


def kernel(pos_h, pos_r, pos_t, neg_h, neg_r, neg_t, entity_emb, relation_emb):
    return _transe_loss(
        pos_h.astype(jnp.int32), pos_r.astype(jnp.int32),
        pos_t.astype(jnp.int32), neg_h.astype(jnp.int32),
        neg_r.astype(jnp.int32), neg_t.astype(jnp.int32),
        entity_emb, relation_emb)

# --- scband reference (transcript-rebuilt; emitter-appended) ---
"""Pipeline reference for scband-trans-e-54958401520284 (READ-ONLY COPY).

The authoritative reference and input builder live on the scoring server;
editing this copy changes nothing except your own understanding.
"""

import jax, jax.numpy as jnp
import numpy as np

NUM_ENTITY = 1000000
NUM_RELATION = 1000
EMBED_DIM = 64
MARGIN = 1.0
NEG_SAMPLES = 2  # negative_entity + negative_relation
BATCH = 4096


def setup_inputs(seed: int = 0) -> dict:
    key = jax.random.key(seed)
    k1, k2, k3, k4, k5, k6, k7, k8 = jax.random.split(key, 8)
    pos_h = jax.random.randint(k1, (BATCH,), 0, NUM_ENTITY, dtype=jnp.int64 if jax.config.jax_enable_x64 else jnp.int32)
    pos_r = jax.random.randint(k2, (BATCH,), 0, NUM_RELATION)
    pos_t = jax.random.randint(k3, (BATCH,), 0, NUM_ENTITY)
    neg_h = jax.random.randint(k4, (BATCH * NEG_SAMPLES,), 0, NUM_ENTITY)
    neg_r = jax.random.randint(k5, (BATCH * NEG_SAMPLES,), 0, NUM_RELATION)
    neg_t = jax.random.randint(k6, (BATCH * NEG_SAMPLES,), 0, NUM_ENTITY)
    # xavier_uniform init for embedding tables
    bound_e = float(np.sqrt(6.0 / (NUM_ENTITY + EMBED_DIM)))
    bound_r = float(np.sqrt(6.0 / (NUM_RELATION + EMBED_DIM)))
    entity_emb = jax.random.uniform(k7, (NUM_ENTITY, EMBED_DIM), minval=-bound_e, maxval=bound_e, dtype=jnp.float32)
    relation_emb = jax.random.uniform(k8, (NUM_RELATION, EMBED_DIM), minval=-bound_r, maxval=bound_r, dtype=jnp.float32)
    return {
        "pos_h": pos_h, "pos_r": pos_r, "pos_t": pos_t,
        "neg_h": neg_h, "neg_r": neg_r, "neg_t": neg_t,
        "entity_emb": entity_emb, "relation_emb": relation_emb,
    }


def _calc(h, t, r):
    return jnp.abs(h + r - t)


def reference(pos_h, pos_r, pos_t, neg_h, neg_r, neg_t, entity_emb, relation_emb):
    d = entity_emb.shape[1]
    p_h = jnp.take(entity_emb, pos_h, axis=0)
    p_t = jnp.take(entity_emb, pos_t, axis=0)
    p_r = jnp.take(relation_emb, pos_r, axis=0)
    n_h = jnp.take(entity_emb, neg_h, axis=0)
    n_t = jnp.take(entity_emb, neg_t, axis=0)
    n_r = jnp.take(relation_emb, neg_r, axis=0)
    _p_score = _calc(p_h, p_t, p_r)
    _n_score = _calc(n_h, n_t, n_r)
    _p_score = _p_score.reshape(-1, 1, d)
    _n_score = _n_score.reshape(-1, NEG_SAMPLES, d)
    p_score = jnp.sum(jnp.mean(_p_score, axis=1), axis=1)
    n_score = jnp.sum(jnp.mean(_n_score, axis=1), axis=1)
    # MarginRankingLoss(margin, size_average=False) with y = -1 -> sum reduction
    y = -1.0
    loss = jnp.sum(jnp.maximum(0.0, -y * (p_score - n_score) + MARGIN))
    return loss

if __name__ == "__main__":
    import jax
    _d = setup_inputs()
    print(jax.jit(kernel)(*tuple(_d.values())))

</pallas_src>

<mosaic_0001>
#map = affine_map<(d0, d1) -> (0)>
#map1 = affine_map<(d0, d1) -> (0, 0)>
module attributes {stable_mosaic.version = 14 : i64} {
  func.func @_tec_body(%arg0: i32, %arg1: i32, %arg2: memref<4096xi32, #tpu.memory_space<hbm>>, %arg3: memref<4096xi32, #tpu.memory_space<hbm>>, %arg4: memref<4096xi32, #tpu.memory_space<hbm>>, %arg5: memref<8192xi32, #tpu.memory_space<hbm>>, %arg6: memref<8192xi32, #tpu.memory_space<hbm>>, %arg7: memref<8192xi32, #tpu.memory_space<hbm>>, %arg8: memref<1000000x64xf32, #tpu.memory_space<hbm>>, %arg9: memref<1000x64xf32, #tpu.memory_space<hbm>>, %arg10: memref<2x16xf32, #tpu.memory_space<hbm>>, %arg11: memref<128xi32, #tpu.memory_space<vmem>>, %arg12: memref<128xi32, #tpu.memory_space<vmem>>, %arg13: memref<128xi32, #tpu.memory_space<vmem>>, %arg14: memref<128xi32, #tpu.memory_space<vmem>>, %arg15: memref<128xi32, #tpu.memory_space<vmem>>, %arg16: memref<128xi32, #tpu.memory_space<vmem>>, %arg17: memref<128xi32, #tpu.memory_space<vmem>>, %arg18: memref<128xi32, #tpu.memory_space<vmem>>, %arg19: memref<128xi32, #tpu.memory_space<vmem>>, %arg20: memref<128x64xf32, #tpu.memory_space<vmem>>, %arg21: memref<128x64xf32, #tpu.memory_space<vmem>>, %arg22: memref<128x64xf32, #tpu.memory_space<vmem>>, %arg23: memref<128x64xf32, #tpu.memory_space<vmem>>, %arg24: memref<128x64xf32, #tpu.memory_space<vmem>>, %arg25: memref<128x64xf32, #tpu.memory_space<vmem>>, %arg26: memref<128x64xf32, #tpu.memory_space<vmem>>, %arg27: memref<128x64xf32, #tpu.memory_space<vmem>>, %arg28: memref<128x64xf32, #tpu.memory_space<vmem>>, %arg29: memref<16x16xf32, #tpu.memory_space<vmem_shared>>, %arg30: memref<16x16xf32, #tpu.memory_space<vmem>>, %arg31: memref<16xf32, #tpu.memory_space<vmem>>, %arg32: memref<!tpu.dma_semaphore, #tpu.memory_space<semaphore_mem>>) attributes {dimension_semantics = [#tpu.dimension_semantics<core_parallel>, #tpu.dimension_semantics<subcore_parallel>], iteration_bounds = array<i64: 2, 16>, scalar_prefetch = 0 : i64, scratch_operands = 22 : i64, tpu.core_type = #tpu.core_type<sc_vector_subcore>, window_params = [{transform_indices = #map}, {transform_indices = #map}, {transform_indices = #map}, {transform_indices = #map}, {transform_indices = #map}, {transform_indices = #map}, {transform_indices = #map1}, {transform_indices = #map1}, {transform_indices = #map1}]} {
    %mul3A = arith.constant 2 : i32
    %mul3A_0 = arith.muli %arg1, %mul3A : i32
    %add3A = arith.addi %mul3A_0, %arg0 : i32
    %mul3A_1 = arith.constant 128 : i32
    %mul3A_2 = arith.muli %add3A, %mul3A_1 : i32
    %mul3A_3 = arith.constant 256 : i32
    %mul3A_4 = arith.muli %add3A, %mul3A_3 : i32
    %dma_start3A = tpu.memref_slice %arg2[%mul3A_2] : memref<4096xi32, #tpu.memory_space<hbm>> -> memref<128xi32, #tpu.memory_space<hbm>>
    %dma_start3A_5 = tpu.memref_slice %arg2[%mul3A_2] : memref<4096xi32, #tpu.memory_space<hbm>> -> memref<128xi32, #tpu.memory_space<hbm>>
    tpu.enqueue_dma source(%dma_start3A_5 : memref<128xi32, #tpu.memory_space<hbm>>) target(%arg11 : memref<128xi32, #tpu.memory_space<vmem>>) target_semaphore(%arg32 : memref<!tpu.dma_semaphore, #tpu.memory_space<semaphore_mem>>)
    %dma_start3A_6 = tpu.memref_slice %arg4[%mul3A_2] : memref<4096xi32, #tpu.memory_space<hbm>> -> memref<128xi32, #tpu.memory_space<hbm>>
    %dma_start3A_7 = tpu.memref_slice %arg4[%mul3A_2] : memref<4096xi32, #tpu.memory_space<hbm>> -> memref<128xi32, #tpu.memory_space<hbm>>
    tpu.enqueue_dma source(%dma_start3A_7 : memref<128xi32, #tpu.memory_space<hbm>>) target(%arg12 : memref<128xi32, #tpu.memory_space<vmem>>) target_semaphore(%arg32 : memref<!tpu.dma_semaphore, #tpu.memory_space<semaphore_mem>>)
    %dma_start3A_8 = tpu.memref_slice %arg3[%mul3A_2] : memref<4096xi32, #tpu.memory_space<hbm>> -> memref<128xi32, #tpu.memory_space<hbm>>
    %dma_start3A_9 = tpu.memref_slice %arg3[%mul3A_2] : memref<4096xi32, #tpu.memory_space<hbm>> -> memref<128xi32, #tpu.memory_space<hbm>>
    tpu.enqueue_dma source(%dma_start3A_9 : memref<128xi32, #tpu.memory_space<hbm>>) target(%arg13 : memref<128xi32, #tpu.memory_space<vmem>>) target_semaphore(%arg32 : memref<!tpu.dma_semaphore, #tpu.memory_space<semaphore_mem>>)
    %dma_start3A_10 = tpu.memref_slice %arg5[%mul3A_4] : memref<8192xi32, #tpu.memory_space<hbm>> -> memref<128xi32, #tpu.memory_space<hbm>>
    %dma_start3A_11 = tpu.memref_slice %arg5[%mul3A_4] : memref<8192xi32, #tpu.memory_space<hbm>> -> memref<128xi32, #tpu.memory_space<hbm>>
    tpu.enqueue_dma source(%dma_start3A_11 : memref<128xi32, #tpu.memory_space<hbm>>) target(%arg14 : memref<128xi32, #tpu.memory_space<vmem>>) target_semaphore(%arg32 : memref<!tpu.dma_semaphore, #tpu.memory_space<semaphore_mem>>)
    %add3A_12 = arith.constant 128 : i32
    %add3A_13 = arith.addi %mul3A_4, %add3A_12 : i32
    %dma_start3A_14 = tpu.memref_slice %arg5[%add3A_13] : memref<8192xi32, #tpu.memory_space<hbm>> -> memref<128xi32, #tpu.memory_space<hbm>>
    %dma_start3A_15 = tpu.memref_slice %arg5[%add3A_13] : memref<8192xi32, #tpu.memory_space<hbm>> -> memref<128xi32, #tpu.memory_space<hbm>>
    tpu.enqueue_dma source(%dma_start3A_15 : memref<128xi32, #tpu.memory_space<hbm>>) target(%arg15 : memref<128xi32, #tpu.memory_space<vmem>>) target_semaphore(%arg32 : memref<!tpu.dma_semaphore, #tpu.memory_space<semaphore_mem>>)
    %dma_start3A_16 = tpu.memref_slice %arg7[%mul3A_4] : memref<8192xi32, #tpu.memory_space<hbm>> -> memref<128xi32, #tpu.memory_space<hbm>>
    %dma_start3A_17 = tpu.memref_slice %arg7[%mul3A_4] : memref<8192xi32, #tpu.memory_space<hbm>> -> memref<128xi32, #tpu.memory_space<hbm>>
    tpu.enqueue_dma source(%dma_start3A_17 : memref<128xi32, #tpu.memory_space<hbm>>) target(%arg16 : memref<128xi32, #tpu.memory_space<vmem>>) target_semaphore(%arg32 : memref<!tpu.dma_semaphore, #tpu.memory_space<semaphore_mem>>)
    %add3A_18 = arith.constant 128 : i32
    %add3A_19 = arith.addi %mul3A_4, %add3A_18 : i32
    %dma_start3A_20 = tpu.memref_slice %arg7[%add3A_19] : memref<8192xi32, #tpu.memory_space<hbm>> -> memref<128xi32, #tpu.memory_space<hbm>>
    %dma_start3A_21 = tpu.memref_slice %arg7[%add3A_19] : memref<8192xi32, #tpu.memory_space<hbm>> -> memref<128xi32, #tpu.memory_space<hbm>>
    tpu.enqueue_dma source(%dma_start3A_21 : memref<128xi32, #tpu.memory_space<hbm>>) target(%arg17 : memref<128xi32, #tpu.memory_space<vmem>>) target_semaphore(%arg32 : memref<!tpu.dma_semaphore, #tpu.memory_space<semaphore_mem>>)
    %dma_start3A_22 = tpu.memref_slice %arg6[%mul3A_4] : memref<8192xi32, #tpu.memory_space<hbm>> -> memref<128xi32, #tpu.memory_space<hbm>>
    %dma_start3A_23 = tpu.memref_slice %arg6[%mul3A_4] : memref<8192xi32, #tpu.memory_space<hbm>> -> memref<128xi32, #tpu.memory_space<hbm>>
    tpu.enqueue_dma source(%dma_start3A_23 : memref<128xi32, #tpu.memory_space<hbm>>) target(%arg18 : memref<128xi32, #tpu.memory_space<vmem>>) target_semaphore(%arg32 : memref<!tpu.dma_semaphore, #tpu.memory_space<semaphore_mem>>)
    %add3A_24 = arith.constant 128 : i32
    %add3A_25 = arith.addi %mul3A_4, %add3A_24 : i32
    %dma_start3A_26 = tpu.memref_slice %arg6[%add3A_25] : memref<8192xi32, #tpu.memory_space<hbm>> -> memref<128xi32, #tpu.memory_space<hbm>>
    %dma_start3A_27 = tpu.memref_slice %arg6[%add3A_25] : memref<8192xi32, #tpu.memory_space<hbm>> -> memref<128xi32, #tpu.memory_space<hbm>>
    tpu.enqueue_dma source(%dma_start3A_27 : memref<128xi32, #tpu.memory_space<hbm>>) target(%arg19 : memref<128xi32, #tpu.memory_space<vmem>>) target_semaphore(%arg32 : memref<!tpu.dma_semaphore, #tpu.memory_space<semaphore_mem>>)
    %dma_wait3A = tpu.memref_slice %arg2[%mul3A_2] : memref<4096xi32, #tpu.memory_space<hbm>> -> memref<128xi32, #tpu.memory_space<hbm>>
    %dma_wait3A_28 = tpu.memref_slice %arg2[%mul3A_2] : memref<4096xi32, #tpu.memory_space<hbm>> -> memref<128xi32, #tpu.memory_space<hbm>>
    tpu.wait_dma2 semaphore(%arg32 : memref<!tpu.dma_semaphore, #tpu.memory_space<semaphore_mem>>) src(%dma_wait3A_28 : memref<128xi32, #tpu.memory_space<hbm>>) dst(%arg11 : memref<128xi32, #tpu.memory_space<vmem>>)
    %dma_wait3A_29 = tpu.memref_slice %arg4[%mul3A_2] : memref<4096xi32, #tpu.memory_space<hbm>> -> memref<128xi32, #tpu.memory_space<hbm>>
    %dma_wait3A_30 = tpu.memref_slice %arg4[%mul3A_2] : memref<4096xi32, #tpu.memory_space<hbm>> -> memref<128xi32, #tpu.memory_space<hbm>>
    tpu.wait_dma2 semaphore(%arg32 : memref<!tpu.dma_semaphore, #tpu.memory_space<semaphore_mem>>) src(%dma_wait3A_30 : memref<128xi32, #tpu.memory_space<hbm>>) dst(%arg12 : memref<128xi32, #tpu.memory_space<vmem>>)
    %dma_wait3A_31 = tpu.memref_slice %arg3[%mul3A_2] : memref<4096xi32, #tpu.memory_space<hbm>> -> memref<128xi32, #tpu.memory_space<hbm>>
    %dma_wait3A_32 = tpu.memref_slice %arg3[%mul3A_2] : memref<4096xi32, #tpu.memory_space<hbm>> -> memref<128xi32, #tpu.memory_space<hbm>>
    tpu.wait_dma2 semaphore(%arg32 : memref<!tpu.dma_semaphore, #tpu.memory_space<semaphore_mem>>) src(%dma_wait3A_32 : memref<128xi32, #tpu.memory_space<hbm>>) dst(%arg13 : memref<128xi32, #tpu.memory_space<vmem>>)
    %dma_wait3A_33 = tpu.memref_slice %arg5[%mul3A_4] : memref<8192xi32, #tpu.memory_space<hbm>> -> memref<128xi32, #tpu.memory_space<hbm>>
    %dma_wait3A_34 = tpu.memref_slice %arg5[%mul3A_4] : memref<8192xi32, #tpu.memory_space<hbm>> -> memref<128xi32, #tpu.memory_space<hbm>>
    tpu.wait_dma2 semaphore(%arg32 : memref<!tpu.dma_semaphore, #tpu.memory_space<semaphore_mem>>) src(%dma_wait3A_34 : memref<128xi32, #tpu.memory_space<hbm>>) dst(%arg14 : memref<128xi32, #tpu.memory_space<vmem>>)
    %dma_wait3A_35 = tpu.memref_slice %arg5[%add3A_13] : memref<8192xi32, #tpu.memory_space<hbm>> -> memref<128xi32, #tpu.memory_space<hbm>>
    %dma_wait3A_36 = tpu.memref_slice %arg5[%add3A_13] : memref<8192xi32, #tpu.memory_space<hbm>> -> memref<128xi32, #tpu.memory_space<hbm>>
    tpu.wait_dma2 semaphore(%arg32 : memref<!tpu.dma_semaphore, #tpu.memory_space<semaphore_mem>>) src(%dma_wait3A_36 : memref<128xi32, #tpu.memory_space<hbm>>) dst(%arg15 : memref<128xi32, #tpu.memory_space<vmem>>)
    %dma_wait3A_37 = tpu.memref_slice %arg7[%mul3A_4] : memref<8192xi32, #tpu.memory_space<hbm>> -> memref<128xi32, #tpu.memory_space<hbm>>
    %dma_wait3A_38 = tpu.memref_slice %arg7[%mul3A_4] : memref<8192xi32, #tpu.memory_space<hbm>> -> memref<128xi32, #tpu.memory_space<hbm>>
    tpu.wait_dma2 semaphore(%arg32 : memref<!tpu.dma_semaphore, #tpu.memory_space<semaphore_mem>>) src(%dma_wait3A_38 : memref<128xi32, #tpu.memory_space<hbm>>) dst(%arg16 : memref<128xi32, #tpu.memory_space<vmem>>)
    %dma_wait3A_39 = tpu.memref_slice %arg7[%add3A_19] : memref<8192xi32, #tpu.memory_space<hbm>> -> memref<128xi32, #tpu.memory_space<hbm>>
    %dma_wait3A_40 = tpu.memref_slice %arg7[%add3A_19] : memref<8192xi32, #tpu.memory_space<hbm>> -> memref<128xi32, #tpu.memory_space<hbm>>
    tpu.wait_dma2 semaphore(%arg32 : memref<!tpu.dma_semaphore, #tpu.memory_space<semaphore_mem>>) src(%dma_wait3A_40 : memref<128xi32, #tpu.memory_space<hbm>>) dst(%arg17 : memref<128xi32, #tpu.memory_space<vmem>>)
    %dma_wait3A_41 = tpu.memref_slice %arg6[%mul3A_4] : memref<8192xi32, #tpu.memory_space<hbm>> -> memref<128xi32, #tpu.memory_space<hbm>>
    %dma_wait3A_42 = tpu.memref_slice %arg6[%mul3A_4] : memref<8192xi32, #tpu.memory_space<hbm>> -> memref<128xi32, #tpu.memory_space<hbm>>
    tpu.wait_dma2 semaphore(%arg32 : memref<!tpu.dma_semaphore, #tpu.memory_space<semaphore_mem>>) src(%dma_wait3A_42 : memref<128xi32, #tpu.memory_space<hbm>>) dst(%arg18 : memref<128xi32, #tpu.memory_space<vmem>>)
    %dma_wait3A_43 = tpu.memref_slice %arg6[%add3A_25] : memref<8192xi32, #tpu.memory_space<hbm>> -> memref<128xi32, #tpu.memory_space<hbm>>
    %dma_wait3A_44 = tpu.memref_slice %arg6[%add3A_25] : memref<8192xi32, #tpu.memory_space<hbm>> -> memref<128xi32, #tpu.memory_space<hbm>>
    tpu.wait_dma2 semaphore(%arg32 : memref<!tpu.dma_semaphore, #tpu.memory_space<semaphore_mem>>) src(%dma_wait3A_44 : memref<128xi32, #tpu.memory_space<hbm>>) dst(%arg19 : memref<128xi32, #tpu.memory_space<vmem>>)
    %dma_start3A_45 = arith.constant 0 : i32
    %dma_start3A_46 = arith.constant 0 : i32
    %dma_start3A_47 = tpu.memref_slice %arg8[%dma_start3A_45, %dma_start3A_46] : memref<1000000x64xf32, #tpu.memory_space<hbm>> -> memref<1000000x64xf32, #tpu.memory_space<hbm>>
    tpu.enqueue_indirect_dma source(%dma_start3A_47 : memref<1000000x64xf32, #tpu.memory_space<hbm>>) target(%arg20 : memref<128x64xf32, #tpu.memory_space<vmem>>) offsets(%arg11 : memref<128xi32, #tpu.memory_space<vmem>>) semaphore(%arg32 : memref<!tpu.dma_semaphore, #tpu.memory_space<semaphore_mem>>)
    %dma_start3A_48 = arith.constant 0 : i32
    %dma_start3A_49 = arith.constant 0 : i32
    %dma_start3A_50 = tpu.memref_slice %arg8[%dma_start3A_48, %dma_start3A_49] : memref<1000000x64xf32, #tpu.memory_space<hbm>> -> memref<1000000x64xf32, #tpu.memory_space<hbm>>
    tpu.enqueue_indirect_dma source(%dma_start3A_50 : memref<1000000x64xf32, #tpu.memory_space<hbm>>) target(%arg21 : memref<128x64xf32, #tpu.memory_space<vmem>>) offsets(%arg12 : memref<128xi32, #tpu.memory_space<vmem>>) semaphore(%arg32 : memref<!tpu.dma_semaphore, #tpu.memory_space<semaphore_mem>>)
    %dma_start3A_51 = arith.constant 0 : i32
    %dma_start3A_52 = arith.constant 0 : i32
    %dma_start3A_53 = tpu.memref_slice %arg9[%dma_start3A_51, %dma_start3A_52] : memref<1000x64xf32, #tpu.memory_space<hbm>> -> memref<1000x64xf32, #tpu.memory_space<hbm>>
    tpu.enqueue_indirect_dma source(%dma_start3A_53 : memref<1000x64xf32, #tpu.memory_space<hbm>>) target(%arg22 : memref<128x64xf32, #tpu.memory_space<vmem>>) offsets(%arg13 : memref<128xi32, #tpu.memory_space<vmem>>) semaphore(%arg32 : memref<!tpu.dma_semaphore, #tpu.memory_space<semaphore_mem>>)
    %dma_start3A_54 = arith.constant 0 : i32
    %dma_start3A_55 = arith.constant 0 : i32
    %dma_start3A_56 = tpu.memref_slice %arg8[%dma_start3A_54, %dma_start3A_55] : memref<1000000x64xf32, #tpu.memory_space<hbm>> -> memref<1000000x64xf32, #tpu.memory_space<hbm>>
    tpu.enqueue_indirect_dma source(%dma_start3A_56 : memref<1000000x64xf32, #tpu.memory_space<hbm>>) target(%arg23 : memref<128x64xf32, #tpu.memory_space<vmem>>) offsets(%arg14 : memref<128xi32, #tpu.memory_space<vmem>>) semaphore(%arg32 : memref<!tpu.dma_semaphore, #tpu.memory_space<semaphore_mem>>)
    %dma_start3A_57 = arith.constant 0 : i32
    %dma_start3A_58 = arith.constant 0 : i32
    %dma_start3A_59 = tpu.memref_slice %arg8[%dma_start3A_57, %dma_start3A_58] : memref<1000000x64xf32, #tpu.memory_space<hbm>> -> memref<1000000x64xf32, #tpu.memory_space<hbm>>
    tpu.enqueue_indirect_dma source(%dma_start3A_59 : memref<1000000x64xf32, #tpu.memory_space<hbm>>) target(%arg24 : memref<128x64xf32, #tpu.memory_space<vmem>>) offsets(%arg15 : memref<128xi32, #tpu.memory_space<vmem>>) semaphore(%arg32 : memref<!tpu.dma_semaphore, #tpu.memory_space<semaphore_mem>>)
    %dma_start3A_60 = arith.constant 0 : i32
    %dma_start3A_61 = arith.constant 0 : i32
    %dma_start3A_62 = tpu.memref_slice %arg8[%dma_start3A_60, %dma_start3A_61] : memref<1000000x64xf32, #tpu.memory_space<hbm>> -> memref<1000000x64xf32, #tpu.memory_space<hbm>>
    tpu.enqueue_indirect_dma source(%dma_start3A_62 : memref<1000000x64xf32, #tpu.memory_space<hbm>>) target(%arg25 : memref<128x64xf32, #tpu.memory_space<vmem>>) offsets(%arg16 : memref<128xi32, #tpu.memory_space<vmem>>) semaphore(%arg32 : memref<!tpu.dma_semaphore, #tpu.memory_space<semaphore_mem>>)
    %dma_start3A_63 = arith.constant 0 : i32
    %dma_start3A_64 = arith.constant 0 : i32
    %dma_start3A_65 = tpu.memref_slice %arg8[%dma_start3A_63, %dma_start3A_64] : memref<1000000x64xf32, #tpu.memory_space<hbm>> -> memref<1000000x64xf32, #tpu.memory_space<hbm>>
    tpu.enqueue_indirect_dma source(%dma_start3A_65 : memref<1000000x64xf32, #tpu.memory_space<hbm>>) target(%arg26 : memref<128x64xf32, #tpu.memory_space<vmem>>) offsets(%arg17 : memref<128xi32, #tpu.memory_space<vmem>>) semaphore(%arg32 : memref<!tpu.dma_semaphore, #tpu.memory_space<semaphore_mem>>)
    %dma_start3A_66 = arith.constant 0 : i32
    %dma_start3A_67 = arith.constant 0 : i32
    %dma_start3A_68 = tpu.memref_slice %arg9[%dma_start3A_66, %dma_start3A_67] : memref<1000x64xf32, #tpu.memory_space<hbm>> -> memref<1000x64xf32, #tpu.memory_space<hbm>>
    tpu.enqueue_indirect_dma source(%dma_start3A_68 : memref<1000x64xf32, #tpu.memory_space<hbm>>) target(%arg27 : memref<128x64xf32, #tpu.memory_space<vmem>>) offsets(%arg18 : memref<128xi32, #tpu.memory_space<vmem>>) semaphore(%arg32 : memref<!tpu.dma_semaphore, #tpu.memory_space<semaphore_mem>>)
    %dma_start3A_69 = arith.constant 0 : i32
    %dma_start3A_70 = arith.constant 0 : i32
    %dma_start3A_71 = tpu.memref_slice %arg9[%dma_start3A_69, %dma_start3A_70] : memref<1000x64xf32, #tpu.memory_space<hbm>> -> memref<1000x64xf32, #tpu.memory_space<hbm>>
    tpu.enqueue_indirect_dma source(%dma_start3A_71 : memref<1000x64xf32, #tpu.memory_space<hbm>>) target(%arg28 : memref<128x64xf32, #tpu.memory_space<vmem>>) offsets(%arg19 : memref<128xi32, #tpu.memory_space<vmem>>) semaphore(%arg32 : memref<!tpu.dma_semaphore, #tpu.memory_space<semaphore_mem>>)
    %dma_wait3A_72 = arith.constant 0 : i32
    %dma_wait3A_73 = arith.constant 0 : i32
    %dma_wait3A_74 = tpu.memref_slice %arg8[%dma_wait3A_72, %dma_wait3A_73] : memref<1000000x64xf32, #tpu.memory_space<hbm>> -> memref<1000000x64xf32, #tpu.memory_space<hbm>>
    tpu.wait_indirect_dma semaphore(%arg32 : memref<!tpu.dma_semaphore, #tpu.memory_space<semaphore_mem>>) src(%dma_wait3A_74 : memref<1000000x64xf32, #tpu.memory_space<hbm>>) dst(%arg20 : memref<128x64xf32, #tpu.memory_space<vmem>>)
    %dma_wait3A_75 = arith.constant 0 : i32
    %dma_wait3A_76 = arith.constant 0 : i32
    %dma_wait3A_77 = tpu.memref_slice %arg8[%dma_wait3A_75, %dma_wait3A_76] : memref<1000000x64xf32, #tpu.memory_space<hbm>> -> memref<1000000x64xf32, #tpu.memory_space<hbm>>
    tpu.wait_indirect_dma semaphore(%arg32 : memref<!tpu.dma_semaphore, #tpu.memory_space<semaphore_mem>>) src(%dma_wait3A_77 : memref<1000000x64xf32, #tpu.memory_space<hbm>>) dst(%arg21 : memref<128x64xf32, #tpu.memory_space<vmem>>)
    %dma_wait3A_78 = arith.constant 0 : i32
    %dma_wait3A_79 = arith.constant 0 : i32
    %dma_wait3A_80 = tpu.memref_slice %arg9[%dma_wait3A_78, %dma_wait3A_79] : memref<1000x64xf32, #tpu.memory_space<hbm>> -> memref<1000x64xf32, #tpu.memory_space<hbm>>
    tpu.wait_indirect_dma semaphore(%arg32 : memref<!tpu.dma_semaphore, #tpu.memory_space<semaphore_mem>>) src(%dma_wait3A_80 : memref<1000x64xf32, #tpu.memory_space<hbm>>) dst(%arg22 : memref<128x64xf32, #tpu.memory_space<vmem>>)
    %dma_wait3A_81 = arith.constant 0 : i32
    %dma_wait3A_82 = arith.constant 0 : i32
    %dma_wait3A_83 = tpu.memref_slice %arg8[%dma_wait3A_81, %dma_wait3A_82] : memref<1000000x64xf32, #tpu.memory_space<hbm>> -> memref<1000000x64xf32, #tpu.memory_space<hbm>>
    tpu.wait_indirect_dma semaphore(%arg32 : memref<!tpu.dma_semaphore, #tpu.memory_space<semaphore_mem>>) src(%dma_wait3A_83 : memref<1000000x64xf32, #tpu.memory_space<hbm>>) dst(%arg23 : memref<128x64xf32, #tpu.memory_space<vmem>>)
    %dma_wait3A_84 = arith.constant 0 : i32
    %dma_wait3A_85 = arith.constant 0 : i32
    %dma_wait3A_86 = tpu.memref_slice %arg8[%dma_wait3A_84, %dma_wait3A_85] : memref<1000000x64xf32, #tpu.memory_space<hbm>> -> memref<1000000x64xf32, #tpu.memory_space<hbm>>
    tpu.wait_indirect_dma semaphore(%arg32 : memref<!tpu.dma_semaphore, #tpu.memory_space<semaphore_mem>>) src(%dma_wait3A_86 : memref<1000000x64xf32, #tpu.memory_space<hbm>>) dst(%arg24 : memref<128x64xf32, #tpu.memory_space<vmem>>)
    %dma_wait3A_87 = arith.constant 0 : i32
    %dma_wait3A_88 = arith.constant 0 : i32
    %dma_wait3A_89 = tpu.memref_slice %arg8[%dma_wait3A_87, %dma_wait3A_88] : memref<1000000x64xf32, #tpu.memory_space<hbm>> -> memref<1000000x64xf32, #tpu.memory_space<hbm>>
    tpu.wait_indirect_dma semaphore(%arg32 : memref<!tpu.dma_semaphore, #tpu.memory_space<semaphore_mem>>) src(%dma_wait3A_89 : memref<1000000x64xf32, #tpu.memory_space<hbm>>) dst(%arg25 : memref<128x64xf32, #tpu.memory_space<vmem>>)
    %dma_wait3A_90 = arith.constant 0 : i32
    %dma_wait3A_91 = arith.constant 0 : i32
    %dma_wait3A_92 = tpu.memref_slice %arg8[%dma_wait3A_90, %dma_wait3A_91] : memref<1000000x64xf32, #tpu.memory_space<hbm>> -> memref<1000000x64xf32, #tpu.memory_space<hbm>>
    tpu.wait_indirect_dma semaphore(%arg32 : memref<!tpu.dma_semaphore, #tpu.memory_space<semaphore_mem>>) src(%dma_wait3A_92 : memref<1000000x64xf32, #tpu.memory_space<hbm>>) dst(%arg26 : memref<128x64xf32, #tpu.memory_space<vmem>>)
    %dma_wait3A_93 = arith.constant 0 : i32
    %dma_wait3A_94 = arith.constant 0 : i32
    %dma_wait3A_95 = tpu.memref_slice %arg9[%dma_wait3A_93, %dma_wait3A_94] : memref<1000x64xf32, #tpu.memory_space<hbm>> -> memref<1000x64xf32, #tpu.memory_space<hbm>>
    tpu.wait_indirect_dma semaphore(%arg32 : memref<!tpu.dma_semaphore, #tpu.memory_space<semaphore_mem>>) src(%dma_wait3A_95 : memref<1000x64xf32, #tpu.memory_space<hbm>>) dst(%arg27 : memref<128x64xf32, #tpu.memory_space<vmem>>)
    %dma_wait3A_96 = arith.constant 0 : i32
    %dma_wait3A_97 = arith.constant 0 : i32
    %dma_wait3A_98 = tpu.memref_slice %arg9[%dma_wait3A_96, %dma_wait3A_97] : memref<1000x64xf32, #tpu.memory_space<hbm>> -> memref<1000x64xf32, #tpu.memory_space<hbm>>
    tpu.wait_indirect_dma semaphore(%arg32 : memref<!tpu.dma_semaphore, #tpu.memory_space<semaphore_mem>>) src(%dma_wait3A_98 : memref<1000x64xf32, #tpu.memory_space<hbm>>) dst(%arg28 : memref<128x64xf32, #tpu.memory_space<vmem>>)
    %iota3A = tpu.iota {dimensions = array<i32: 0>} : vector<16xi32>
    %broadcast_in_dim3A = arith.constant 0.000000e+00 : f32
    %broadcast_in_dim3A_99 = vector.broadcast %broadcast_in_dim3A : f32 to vector<16xf32>
    %scan3A = arith.constant 0.000000e+00 : f32
    %scan3A_100 = arith.constant 0 : i32
    %scan3A_101 = arith.constant 64 : i32
    %scan3A_102 = arith.addi %scan3A_100, %scan3A_101 : i32
    %scan3A_103 = arith.constant 1 : i32
    %scan3A_104 = scf.for %scan3A_120 = %scan3A_100 to %scan3A_102 step %scan3A_103 iter_args(%scan3A_121 = %scan3A) -> (f32)  : i32 {
      %sub3A = arith.constant 0 : i32
      %sub3A_122 = arith.subi %scan3A_120, %sub3A : i32
      %mul3A_123 = arith.constant 2 : i32
      %mul3A_124 = arith.muli %mul3A_123, %sub3A_122 : i32
      %get3A = arith.index_cast %scan3A_120 : i32 to index
      %get3A_125 = arith.constant 0 : index
      %get3A_126 = tpu.vector_load %arg20[%get3A, %get3A_125] {strides = array<i32>} : memref<128x64xf32, #tpu.memory_space<vmem>>, vector<16xf32>,
      %get3A_127 = arith.index_cast %scan3A_120 : i32 to index
      %get3A_128 = arith.constant 0 : index
      %get3A_129 = tpu.vector_load %arg22[%get3A_127, %get3A_128] {strides = array<i32>} : memref<128x64xf32, #tpu.memory_space<vmem>>, vector<16xf32>,
      %add3A_130 = arith.addf %get3A_126, %get3A_129 : vector<16xf32>
      %get3A_131 = arith.index_cast %scan3A_120 : i32 to index
      %get3A_132 = arith.constant 0 : index
      %get3A_133 = tpu.vector_load %arg21[%get3A_131, %get3A_132] {strides = array<i32>} : memref<128x64xf32, #tpu.memory_space<vmem>>, vector<16xf32>,
      %sub3A_134 = arith.subf %add3A_130, %get3A_133 : vector<16xf32>
      %abs3A = math.absf %sub3A_134 : vector<16xf32>
      %add3A_135 = arith.addf %broadcast_in_dim3A_99, %abs3A : vector<16xf32>
      %get3A_136 = arith.index_cast %mul3A_124 : i32 to index
      %get3A_137 = arith.constant 0 : index
      %get3A_138 = tpu.vector_load %arg23[%get3A_136, %get3A_137] {strides = array<i32>} : memref<128x64xf32, #tpu.memory_space<vmem>>, vector<16xf32>,
      %get3A_139 = arith.index_cast %mul3A_124 : i32 to index
      %get3A_140 = arith.constant 0 : index
      %get3A_141 = tpu.vector_load %arg27[%get3A_139, %get3A_140] {strides = array<i32>} : memref<128x64xf32, #tpu.memory_space<vmem>>, vector<16xf32>,
      %add3A_142 = arith.addf %get3A_138, %get3A_141 : vector<16xf32>
      %get3A_143 = arith.index_cast %mul3A_124 : i32 to index
      %get3A_144 = arith.constant 0 : index
      %get3A_145 = tpu.vector_load %arg25[%get3A_143, %get3A_144] {strides = array<i32>} : memref<128x64xf32, #tpu.memory_space<vmem>>, vector<16xf32>,
      %sub3A_146 = arith.subf %add3A_142, %get3A_145 : vector<16xf32>
      %abs3A_147 = math.absf %sub3A_146 : vector<16xf32>
      %mul3A_148 = arith.constant 5.000000e-01 : f32
      %mul3A_149 = vector.broadcast %mul3A_148 : f32 to vector<16xf32>
      %mul3A_150 = arith.mulf %mul3A_149, %abs3A_147 : vector<16xf32>
      %sub3A_151 = arith.subf %add3A_135, %mul3A_150 : vector<16xf32>
      %add3A_152 = arith.constant 1 : i32
      %add3A_153 = arith.addi %mul3A_124, %add3A_152 : i32
      %get3A_154 = arith.index_cast %add3A_153 : i32 to index
      %get3A_155 = arith.constant 0 : index
      %get3A_156 = tpu.vector_load %arg23[%get3A_154, %get3A_155] {strides = array<i32>} : memref<128x64xf32, #tpu.memory_space<vmem>>, vector<16xf32>,
      %add3A_157 = arith.constant 1 : i32
      %add3A_158 = arith.addi %mul3A_124, %add3A_157 : i32
      %get3A_159 = arith.index_cast %add3A_158 : i32 to index
      %get3A_160 = arith.constant 0 : index
      %get3A_161 = tpu.vector_load %arg27[%get3A_159, %get3A_160] {strides = array<i32>} : memref<128x64xf32, #tpu.memory_space<vmem>>, vector<16xf32>,
      %add3A_162 = arith.addf %get3A_156, %get3A_161 : vector<16xf32>
      %add3A_163 = arith.constant 1 : i32
      %add3A_164 = arith.addi %mul3A_124, %add3A_163 : i32
      %get3A_165 = arith.index_cast %add3A_164 : i32 to index
      %get3A_166 = arith.constant 0 : index
      %get3A_167 = tpu.vector_load %arg25[%get3A_165, %get3A_166] {strides = array<i32>} : memref<128x64xf32, #tpu.memory_space<vmem>>, vector<16xf32>,
      %sub3A_168 = arith.subf %add3A_162, %get3A_167 : vector<16xf32>
      %abs3A_169 = math.absf %sub3A_168 : vector<16xf32>
      %mul3A_170 = arith.constant 5.000000e-01 : f32
      %mul3A_171 = vector.broadcast %mul3A_170 : f32 to vector<16xf32>
      %mul3A_172 = arith.mulf %mul3A_171, %abs3A_169 : vector<16xf32>
      %sub3A_173 = arith.subf %sub3A_151, %mul3A_172 : vector<16xf32>
      %get3A_174 = arith.index_cast %scan3A_120 : i32 to index
      %get3A_175 = arith.constant 16 : index
      %get3A_176 = tpu.vector_load %arg20[%get3A_174, %get3A_175] {strides = array<i32>} : memref<128x64xf32, #tpu.memory_space<vmem>>, vector<16xf32>,
      %get3A_177 = arith.index_cast %scan3A_120 : i32 to index
      %get3A_178 = arith.constant 16 : index
      %get3A_179 = tpu.vector_load %arg22[%get3A_177, %get3A_178] {strides = array<i32>} : memref<128x64xf32, #tpu.memory_space<vmem>>, vector<16xf32>,
      %add3A_180 = arith.addf %get3A_176, %get3A_179 : vector<16xf32>
      %get3A_181 = arith.index_cast %scan3A_120 : i32 to index
      %get3A_182 = arith.constant 16 : index
      %get3A_183 = tpu.vector_load %arg21[%get3A_181, %get3A_182] {strides = array<i32>} : memref<128x64xf32, #tpu.memory_space<vmem>>, vector<16xf32>,
      %sub3A_184 = arith.subf %add3A_180, %get3A_183 : vector<16xf32>
      %abs3A_185 = math.absf %sub3A_184 : vector<16xf32>
      %add3A_186 = arith.addf %sub3A_173, %abs3A_185 : vector<16xf32>
      %get3A_187 = arith.index_cast %mul3A_124 : i32 to index
      %get3A_188 = arith.constant 16 : index
      %get3A_189 = tpu.vector_load %arg23[%get3A_187, %get3A_188] {strides = array<i32>} : memref<128x64xf32, #tpu.memory_space<vmem>>, vector<16xf32>,
      %get3A_190 = arith.index_cast %mul3A_124 : i32 to index
      %get3A_191 = arith.constant 16 : index
      %get3A_192 = tpu.vector_load %arg27[%get3A_190, %get3A_191] {strides = array<i32>} : memref<128x64xf32, #tpu.memory_space<vmem>>, vector<16xf32>,
      %add3A_193 = arith.addf %get3A_189, %get3A_192 : vector<16xf32>
      %get3A_194 = arith.index_cast %mul3A_124 : i32 to index
      %get3A_195 = arith.constant 16 : index
      %get3A_196 = tpu.vector_load %arg25[%get3A_194, %get3A_195] {strides = array<i32>} : memref<128x64xf32, #tpu.memory_space<vmem>>, vector<16xf32>,
      %sub3A_197 = arith.subf %add3A_193, %get3A_196 : vector<16xf32>
      %abs3A_198 = math.absf %sub3A_197 : vector<16xf32>
      %mul3A_199 = arith.constant 5.000000e-01 : f32
      %mul3A_200 = vector.broadcast %mul3A_199 : f32 to vector<16xf32>
      %mul3A_201 = arith.mulf %mul3A_200, %abs3A_198 : vector<16xf32>
      %sub3A_202 = arith.subf %add3A_186, %mul3A_201 : vector<16xf32>
      %add3A_203 = arith.constant 1 : i32
      %add3A_204 = arith.addi %mul3A_124, %add3A_203 : i32
      %get3A_205 = arith.index_cast %add3A_204 : i32 to index
      %get3A_206 = arith.constant 16 : index
      %get3A_207 = tpu.vector_load %arg23[%get3A_205, %get3A_206] {strides = array<i32>} : memref<128x64xf32, #tpu.memory_space<vmem>>, vector<16xf32>,
      %add3A_208 = arith.constant 1 : i32
      %add3A_209 = arith.addi %mul3A_124, %add3A_208 : i32
      %get3A_210 = arith.index_cast %add3A_209 : i32 to index
      %get3A_211 = arith.constant 16 : index
      %get3A_212 = tpu.vector_load %arg27[%get3A_210, %get3A_211] {strides = array<i32>} : memref<128x64xf32, #tpu.memory_space<vmem>>, vector<16xf32>,
      %add3A_213 = arith.addf %get3A_207, %get3A_212 : vector<16xf32>
      %add3A_214 = arith.constant 1 : i32
      %add3A_215 = arith.addi %mul3A_124, %add3A_214 : i32
      %get3A_216 = arith.index_cast %add3A_215 : i32 to index
      %get3A_217 = arith.constant 16 : index
      %get3A_218 = tpu.vector_load %arg25[%get3A_216, %get3A_217] {strides = array<i32>} : memref<128x64xf32, #tpu.memory_space<vmem>>, vector<16xf32>,
      %sub3A_219 = arith.subf %add3A_213, %get3A_218 : vector<16xf32>
      %abs3A_220 = math.absf %sub3A_219 : vector<16xf32>
      %mul3A_221 = arith.constant 5.000000e-01 : f32
      %mul3A_222 = vector.broadcast %mul3A_221 : f32 to vector<16xf32>
      %mul3A_223 = arith.mulf %mul3A_222, %abs3A_220 : vector<16xf32>
      %sub3A_224 = arith.subf %sub3A_202, %mul3A_223 : vector<16xf32>
      %get3A_225 = arith.index_cast %scan3A_120 : i32 to index
      %get3A_226 = arith.constant 32 : index
      %get3A_227 = tpu.vector_load %arg20[%get3A_225, %get3A_226] {strides = array<i32>} : memref<128x64xf32, #tpu.memory_space<vmem>>, vector<16xf32>,
      %get3A_228 = arith.index_cast %scan3A_120 : i32 to index
      %get3A_229 = arith.constant 32 : index
      %get3A_230 = tpu.vector_load %arg22[%get3A_228, %get3A_229] {strides = array<i32>} : memref<128x64xf32, #tpu.memory_space<vmem>>, vector<16xf32>,
      %add3A_231 = arith.addf %get3A_227, %get3A_230 : vector<16xf32>
      %get3A_232 = arith.index_cast %scan3A_120 : i32 to index
      %get3A_233 = arith.constant 32 : index
      %get3A_234 = tpu.vector_load %arg21[%get3A_232, %get3A_233] {strides = array<i32>} : memref<128x64xf32, #tpu.memory_space<vmem>>, vector<16xf32>,
      %sub3A_235 = arith.subf %add3A_231, %get3A_234 : vector<16xf32>
      %abs3A_236 = math.absf %sub3A_235 : vector<16xf32>
      %add3A_237 = arith.addf %sub3A_224, %abs3A_236 : vector<16xf32>
      %get3A_238 = arith.index_cast %mul3A_124 : i32 to index
      %get3A_239 = arith.constant 32 : index
      %get3A_240 = tpu.vector_load %arg23[%get3A_238, %get3A_239] {strides = array<i32>} : memref<128x64xf32, #tpu.memory_space<vmem>>, vector<16xf32>,
      %get3A_241 = arith.index_cast %mul3A_124 : i32 to index
      %get3A_242 = arith.constant 32 : index
      %get3A_243 = tpu.vector_load %arg27[%get3A_241, %get3A_242] {strides = array<i32>} : memref<128x64xf32, #tpu.memory_space<vmem>>, vector<16xf32>,
      %add3A_244 = arith.addf %get3A_240, %get3A_243 : vector<16xf32>
      %get3A_245 = arith.index_cast %mul3A_124 : i32 to index
      %get3A_246 = arith.constant 32 : index
      %get3A_247 = tpu.vector_load %arg25[%get3A_245, %get3A_246] {strides = array<i32>} : memref<128x64xf32, #tpu.memory_space<vmem>>, vector<16xf32>,
      %sub3A_248 = arith.subf %add3A_244, %get3A_247 : vector<16xf32>
      %abs3A_249 = math.absf %sub3A_248 : vector<16xf32>
      %mul3A_250 = arith.constant 5.000000e-01 : f32
      %mul3A_251 = vector.broadcast %mul3A_250 : f32 to vector<16xf32>
      %mul3A_252 = arith.mulf %mul3A_251, %abs3A_249 : vector<16xf32>
      %sub3A_253 = arith.subf %add3A_237, %mul3A_252 : vector<16xf32>
      %add3A_254 = arith.constant 1 : i32
      %add3A_255 = arith.addi %mul3A_124, %add3A_254 : i32
      %get3A_256 = arith.index_cast %add3A_255 : i32 to index
      %get3A_257 = arith.constant 32 : index
      %get3A_258 = tpu.vector_load %arg23[%get3A_256, %get3A_257] {strides = array<i32>} : memref<128x64xf32, #tpu.memory_space<vmem>>, vector<16xf32>,
      %add3A_259 = arith.constant 1 : i32
      %add3A_260 = arith.addi %mul3A_124, %add3A_259 : i32
      %get3A_261 = arith.index_cast %add3A_260 : i32 to index
      %get3A_262 = arith.constant 32 : index
      %get3A_263 = tpu.vector_load %arg27[%get3A_261, %get3A_262] {strides = array<i32>} : memref<128x64xf32, #tpu.memory_space<vmem>>, vector<16xf32>,
      %add3A_264 = arith.addf %get3A_258, %get3A_263 : vector<16xf32>
      %add3A_265 = arith.constant 1 : i32
      %add3A_266 = arith.addi %mul3A_124, %add3A_265 : i32
      %get3A_267 = arith.index_cast %add3A_266 : i32 to index
      %get3A_268 = arith.constant 32 : index
      %get3A_269 = tpu.vector_load %arg25[%get3A_267, %get3A_268] {strides = array<i32>} : memref<128x64xf32, #tpu.memory_space<vmem>>, vector<16xf32>,
      %sub3A_270 = arith.subf %add3A_264, %get3A_269 : vector<16xf32>
      %abs3A_271 = math.absf %sub3A_270 : vector<16xf32>
      %mul3A_272 = arith.constant 5.000000e-01 : f32
      %mul3A_273 = vector.broadcast %mul3A_272 : f32 to vector<16xf32>
      %mul3A_274 = arith.mulf %mul3A_273, %abs3A_271 : vector<16xf32>
      %sub3A_275 = arith.subf %sub3A_253, %mul3A_274 : vector<16xf32>
      %get3A_276 = arith.index_cast %scan3A_120 : i32 to index
      %get3A_277 = arith.constant 48 : index
      %get3A_278 = tpu.vector_load %arg20[%get3A_276, %get3A_277] {strides = array<i32>} : memref<128x64xf32, #tpu.memory_space<vmem>>, vector<16xf32>,
      %get3A_279 = arith.index_cast %scan3A_120 : i32 to index
      %get3A_280 = arith.constant 48 : index
      %get3A_281 = tpu.vector_load %arg22[%get3A_279, %get3A_280] {strides = array<i32>} : memref<128x64xf32, #tpu.memory_space<vmem>>, vector<16xf32>,
      %add3A_282 = arith.addf %get3A_278, %get3A_281 : vector<16xf32>
      %get3A_283 = arith.index_cast %scan3A_120 : i32 to index
      %get3A_284 = arith.constant 48 : index
      %get3A_285 = tpu.vector_load %arg21[%get3A_283, %get3A_284] {strides = array<i32>} : memref<128x64xf32, #tpu.memory_space<vmem>>, vector<16xf32>,
      %sub3A_286 = arith.subf %add3A_282, %get3A_285 : vector<16xf32>
      %abs3A_287 = math.absf %sub3A_286 : vector<16xf32>
      %add3A_288 = arith.addf %sub3A_275, %abs3A_287 : vector<16xf32>
      %get3A_289 = arith.index_cast %mul3A_124 : i32 to index
      %get3A_290 = arith.constant 48 : index
      %get3A_291 = tpu.vector_load %arg23[%get3A_289, %get3A_290] {strides = array<i32>} : memref<128x64xf32, #tpu.memory_space<vmem>>, vector<16xf32>,
      %get3A_292 = arith.index_cast %mul3A_124 : i32 to index
      %get3A_293 = arith.constant 48 : index
      %get3A_294 = tpu.vector_load %arg27[%get3A_292, %get3A_293] {strides = array<i32>} : memref<128x64xf32, #tpu.memory_space<vmem>>, vector<16xf32>,
      %add3A_295 = arith.addf %get3A_291, %get3A_294 : vector<16xf32>
      %get3A_296 = arith.index_cast %mul3A_124 : i32 to index
      %get3A_297 = arith.constant 48 : index
      %get3A_298 = tpu.vector_load %arg25[%get3A_296, %get3A_297] {strides = array<i32>} : memref<128x64xf32, #tpu.memory_space<vmem>>, vector<16xf32>,
      %sub3A_299 = arith.subf %add3A_295, %get3A_298 : vector<16xf32>
      %abs3A_300 = math.absf %sub3A_299 : vector<16xf32>
      %mul3A_301 = arith.constant 5.000000e-01 : f32
      %mul3A_302 = vector.broadcast %mul3A_301 : f32 to vector<16xf32>
      %mul3A_303 = arith.mulf %mul3A_302, %abs3A_300 : vector<16xf32>
      %sub3A_304 = arith.subf %add3A_288, %mul3A_303 : vector<16xf32>
      %add3A_305 = arith.constant 1 : i32
      %add3A_306 = arith.addi %mul3A_124, %add3A_305 : i32
      %get3A_307 = arith.index_cast %add3A_306 : i32 to index
      %get3A_308 = arith.constant 48 : index
      %get3A_309 = tpu.vector_load %arg23[%get3A_307, %get3A_308] {strides = array<i32>} : memref<128x64xf32, #tpu.memory_space<vmem>>, vector<16xf32>,
      %add3A_310 = arith.constant 1 : i32
      %add3A_311 = arith.addi %mul3A_124, %add3A_310 : i32
      %get3A_312 = arith.index_cast %add3A_311 : i32 to index
      %get3A_313 = arith.constant 48 : index
      %get3A_314 = tpu.vector_load %arg27[%get3A_312, %get3A_313] {strides = array<i32>} : memref<128x64xf32, #tpu.memory_space<vmem>>, vector<16xf32>,
      %add3A_315 = arith.addf %get3A_309, %get3A_314 : vector<16xf32>
      %add3A_316 = arith.constant 1 : i32
      %add3A_317 = arith.addi %mul3A_124, %add3A_316 : i32
      %get3A_318 = arith.index_cast %add3A_317 : i32 to index
      %get3A_319 = arith.constant 48 : index
      %get3A_320 = tpu.vector_load %arg25[%get3A_318, %get3A_319] {strides = array<i32>} : memref<128x64xf32, #tpu.memory_space<vmem>>, vector<16xf32>,
      %sub3A_321 = arith.subf %add3A_315, %get3A_320 : vector<16xf32>
      %abs3A_322 = math.absf %sub3A_321 : vector<16xf32>
      %mul3A_323 = arith.constant 5.000000e-01 : f32
      %mul3A_324 = vector.broadcast %mul3A_323 : f32 to vector<16xf32>
      %mul3A_325 = arith.mulf %mul3A_324, %abs3A_322 : vector<16xf32>
      %sub3A_326 = arith.subf %sub3A_304, %mul3A_325 : vector<16xf32>
      %reduce_sum3A = arith.constant true
      %reduce_sum3A_327 = vector.broadcast %reduce_sum3A : i1 to vector<16xi1>
      %reduce_sum3A_328 = tpu.scan <sum>, %sub3A_326 masked %reduce_sum3A_327 : vector<16xf32>, vector<16xi1> -> vector<16xf32>
      %reduce_sum3A_329 = vector.extract %reduce_sum3A_328[15] : f32 from vector<16xf32>
      %add3A_330 = arith.constant 1.000000e+00 : f32
      %add3A_331 = arith.addf %reduce_sum3A_329, %add3A_330 : f32
      %max3A = arith.constant 0.000000e+00 : f32
      %max3A_332 = arith.maximumf %add3A_331, %max3A : f32
      %add3A_333 = arith.addf %scan3A_121, %max3A_332 : f32
      scf.yield %add3A_333 : f32
    }
    %scan3A_105 = arith.constant 64 : i32
    %scan3A_106 = arith.constant 64 : i32
    %scan3A_107 = arith.constant 64 : i32
    %scan3A_108 = arith.addi %scan3A_106, %scan3A_107 : i32
    %scan3A_109 = arith.constant 1 : i32
    %scan3A_110 = scf.for %scan3A_120 = %scan3A_106 to %scan3A_108 step %scan3A_109 iter_args(%scan3A_121 = %scan3A_104) -> (f32)  : i32 {
      %sub3A = arith.constant 64 : i32
      %sub3A_122 = arith.subi %scan3A_120, %sub3A : i32
      %mul3A_123 = arith.constant 2 : i32
      %mul3A_124 = arith.muli %mul3A_123, %sub3A_122 : i32
      %get3A = arith.index_cast %scan3A_120 : i32 to index
      %get3A_125 = arith.constant 0 : index
      %get3A_126 = tpu.vector_load %arg20[%get3A, %get3A_125] {strides = array<i32>} : memref<128x64xf32, #tpu.memory_space<vmem>>, vector<16xf32>,
      %get3A_127 = arith.index_cast %scan3A_120 : i32 to index
      %get3A_128 = arith.constant 0 : index
      %get3A_129 = tpu.vector_load %arg22[%get3A_127, %get3A_128] {strides = array<i32>} : memref<128x64xf32, #tpu.memory_space<vmem>>, vector<16xf32>,
      %add3A_130 = arith.addf %get3A_126, %get3A_129 : vector<16xf32>
      %get3A_131 = arith.index_cast %scan3A_120 : i32 to index
      %get3A_132 = arith.constant 0 : index
      %get3A_133 = tpu.vector_load %arg21[%get3A_131, %get3A_132] {strides = array<i32>} : memref<128x64xf32, #tpu.memory_space<vmem>>, vector<16xf32>,
      %sub3A_134 = arith.subf %add3A_130, %get3A_133 : vector<16xf32>
      %abs3A = math.absf %sub3A_134 : vector<16xf32>
      %add3A_135 = arith.addf %broadcast_in_dim3A_99, %abs3A : vector<16xf32>
      %get3A_136 = arith.index_cast %mul3A_124 : i32 to index
      %get3A_137 = arith.constant 0 : index
      %get3A_138 = tpu.vector_load %arg24[%get3A_136, %get3A_137] {strides = array<i32>} : memref<128x64xf32, #tpu.memory_space<vmem>>, vector<16xf32>,
      %get3A_139 = arith.index_cast %mul3A_124 : i32 to index
      %get3A_140 = arith.constant 0 : index
      %get3A_141 = tpu.vector_load %arg28[%get3A_139, %get3A_140] {strides = array<i32>} : memref<128x64xf32, #tpu.memory_space<vmem>>, vector<16xf32>,
      %add3A_142 = arith.addf %get3A_138, %get3A_141 : vector<16xf32>
      %get3A_143 = arith.index_cast %mul3A_124 : i32 to index
      %get3A_144 = arith.constant 0 : index
      %get3A_145 = tpu.vector_load %arg26[%get3A_143, %get3A_144] {strides = array<i32>} : memref<128x64xf32, #tpu.memory_space<vmem>>, vector<16xf32>,
      %sub3A_146 = arith.subf %add3A_142, %get3A_145 : vector<16xf32>
      %abs3A_147 = math.absf %sub3A_146 : vector<16xf32>
      %mul3A_148 = arith.constant 5.000000e-01 : f32
      %mul3A_149 = vector.broadcast %mul3A_148 : f32 to vector<16xf32>
      %mul3A_150 = arith.mulf %mul3A_149, %abs3A_147 : vector<16xf32>
      %sub3A_151 = arith.subf %add3A_135, %mul3A_150 : vector<16xf32>
      %add3A_152 = arith.constant 1 : i32
      %add3A_153 = arith.addi %mul3A_124, %add3A_152 : i32
      %get3A_154 = arith.index_cast %add3A_153 : i32 to index
      %get3A_155 = arith.constant 0 : index
      %get3A_156 = tpu.vector_load %arg24[%get3A_154, %get3A_155] {strides = array<i32>} : memref<128x64xf32, #tpu.memory_space<vmem>>, vector<16xf32>,
      %add3A_157 = arith.constant 1 : i32
      %add3A_158 = arith.addi %mul3A_124, %add3A_157 : i32
      %get3A_159 = arith.index_cast %add3A_158 : i32 to index
      %get3A_160 = arith.constant 0 : index
      %get3A_161 = tpu.vector_load %arg28[%get3A_159, %get3A_160] {strides = array<i32>} : memref<128x64xf32, #tpu.memory_space<vmem>>, vector<16xf32>,
      %add3A_162 = arith.addf %get3A_156, %get3A_161 : vector<16xf32>
      %add3A_163 = arith.constant 1 : i32
      %add3A_164 = arith.addi %mul3A_124, %add3A_163 : i32
      %get3A_165 = arith.index_cast %add3A_164 : i32 to index
      %get3A_166 = arith.constant 0 : index
      %get3A_167 = tpu.vector_load %arg26[%get3A_165, %get3A_166] {strides = array<i32>} : memref<128x64xf32, #tpu.memory_space<vmem>>, vector<16xf32>,
      %sub3A_168 = arith.subf %add3A_162, %get3A_167 : vector<16xf32>
      %abs3A_169 = math.absf %sub3A_168 : vector<16xf32>
      %mul3A_170 = arith.constant 5.000000e-01 : f32
      %mul3A_171 = vector.broadcast %mul3A_170 : f32 to vector<16xf32>
      %mul3A_172 = arith.mulf %mul3A_171, %abs3A_169 : vector<16xf32>
      %sub3A_173 = arith.subf %sub3A_151, %mul3A_172 : vector<16xf32>
      %get3A_174 = arith.index_cast %scan3A_120 : i32 to index
      %get3A_175 = arith.constant 16 : index
      %get3A_176 = tpu.vector_load %arg20[%get3A_174, %get3A_175] {strides = array<i32>} : memref<128x64xf32, #tpu.memory_space<vmem>>, vector<16xf32>,
      %get3A_177 = arith.index_cast %scan3A_120 : i32 to index
      %get3A_178 = arith.constant 16 : index
      %get3A_179 = tpu.vector_load %arg22[%get3A_177, %get3A_178] {strides = array<i32>} : memref<128x64xf32, #tpu.memory_space<vmem>>, vector<16xf32>,
      %add3A_180 = arith.addf %get3A_176, %get3A_179 : vector<16xf32>
      %get3A_181 = arith.index_cast %scan3A_120 : i32 to index
      %get3A_182 = arith.constant 16 : index
      %get3A_183 = tpu.vector_load %arg21[%get3A_181, %get3A_182] {strides = array<i32>} : memref<128x64xf32, #tpu.memory_space<vmem>>, vector<16xf32>,
      %sub3A_184 = arith.subf %add3A_180, %get3A_183 : vector<16xf32>
      %abs3A_185 = math.absf %sub3A_184 : vector<16xf32>
      %add3A_186 = arith.addf %sub3A_173, %abs3A_185 : vector<16xf32>
      %get3A_187 = arith.index_cast %mul3A_124 : i32 to index
      %get3A_188 = arith.constant 16 : index
      %get3A_189 = tpu.vector_load %arg24[%get3A_187, %get3A_188] {strides = array<i32>} : memref<128x64xf32, #tpu.memory_space<vmem>>, vector<16xf32>,
      %get3A_190 = arith.index_cast %mul3A_124 : i32 to index
      %get3A_191 = arith.constant 16 : index
      %get3A_192 = tpu.vector_load %arg28[%get3A_190, %get3A_191] {strides = array<i32>} : memref<128x64xf32, #tpu.memory_space<vmem>>, vector<16xf32>,
      %add3A_193 = arith.addf %get3A_189, %get3A_192 : vector<16xf32>
      %get3A_194 = arith.index_cast %mul3A_124 : i32 to index
      %get3A_195 = arith.constant 16 : index
      %get3A_196 = tpu.vector_load %arg26[%get3A_194, %get3A_195] {strides = array<i32>} : memref<128x64xf32, #tpu.memory_space<vmem>>, vector<16xf32>,
      %sub3A_197 = arith.subf %add3A_193, %get3A_196 : vector<16xf32>
      %abs3A_198 = math.absf %sub3A_197 : vector<16xf32>
      %mul3A_199 = arith.constant 5.000000e-01 : f32
      %mul3A_200 = vector.broadcast %mul3A_199 : f32 to vector<16xf32>
      %mul3A_201 = arith.mulf %mul3A_200, %abs3A_198 : vector<16xf32>
      %sub3A_202 = arith.subf %add3A_186, %mul3A_201 : vector<16xf32>
      %add3A_203 = arith.constant 1 : i32
      %add3A_204 = arith.addi %mul3A_124, %add3A_203 : i32
      %get3A_205 = arith.index_cast %add3A_204 : i32 to index
      %get3A_206 = arith.constant 16 : index
      %get3A_207 = tpu.vector_load %arg24[%get3A_205, %get3A_206] {strides = array<i32>} : memref<128x64xf32, #tpu.memory_space<vmem>>, vector<16xf32>,
      %add3A_208 = arith.constant 1 : i32
      %add3A_209 = arith.addi %mul3A_124, %add3A_208 : i32
      %get3A_210 = arith.index_cast %add3A_209 : i32 to index
      %get3A_211 = arith.constant 16 : index
      %get3A_212 = tpu.vector_load %arg28[%get3A_210, %get3A_211] {strides = array<i32>} : memref<128x64xf32, #tpu.memory_space<vmem>>, vector<16xf32>,
      %add3A_213 = arith.addf %get3A_207, %get3A_212 : vector<16xf32>
      %add3A_214 = arith.constant 1 : i32
      %add3A_215 = arith.addi %mul3A_124, %add3A_214 : i32
      %get3A_216 = arith.index_cast %add3A_215 : i32 to index
      %get3A_217 = arith.constant 16 : index
      %get3A_218 = tpu.vector_load %arg26[%get3A_216, %get3A_217] {strides = array<i32>} : memref<128x64xf32, #tpu.memory_space<vmem>>, vector<16xf32>,
      %sub3A_219 = arith.subf %add3A_213, %get3A_218 : vector<16xf32>
      %abs3A_220 = math.absf %sub3A_219 : vector<16xf32>
      %mul3A_221 = arith.constant 5.000000e-01 : f32
      %mul3A_222 = vector.broadcast %mul3A_221 : f32 to vector<16xf32>
      %mul3A_223 = arith.mulf %mul3A_222, %abs3A_220 : vector<16xf32>
      %sub3A_224 = arith.subf %sub3A_202, %mul3A_223 : vector<16xf32>
      %get3A_225 = arith.index_cast %scan3A_120 : i32 to index
      %get3A_226 = arith.constant 32 : index
      %get3A_227 = tpu.vector_load %arg20[%get3A_225, %get3A_226] {strides = array<i32>} : memref<128x64xf32, #tpu.memory_space<vmem>>, vector<16xf32>,
      %get3A_228 = arith.index_cast %scan3A_120 : i32 to index
      %get3A_229 = arith.constant 32 : index
      %get3A_230 = tpu.vector_load %arg22[%get3A_228, %get3A_229] {strides = array<i32>} : memref<128x64xf32, #tpu.memory_space<vmem>>, vector<16xf32>,
      %add3A_231 = arith.addf %get3A_227, %get3A_230 : vector<16xf32>
      %get3A_232 = arith.index_cast %scan3A_120 : i32 to index
      %get3A_233 = arith.constant 32 : index
      %get3A_234 = tpu.vector_load %arg21[%get3A_232, %get3A_233] {strides = array<i32>} : memref<128x64xf32, #tpu.memory_space<vmem>>, vector<16xf32>,
      %sub3A_235 = arith.subf %add3A_231, %get3A_234 : vector<16xf32>
      %abs3A_236 = math.absf %sub3A_235 : vector<16xf32>
      %add3A_237 = arith.addf %sub3A_224, %abs3A_236 : vector<16xf32>
      %get3A_238 = arith.index_cast %mul3A_124 : i32 to index
      %get3A_239 = arith.constant 32 : index
      %get3A_240 = tpu.vector_load %arg24[%get3A_238, %get3A_239] {strides = array<i32>} : memref<128x64xf32, #tpu.memory_space<vmem>>, vector<16xf32>,
      %get3A_241 = arith.index_cast %mul3A_124 : i32 to index
      %get3A_242 = arith.constant 32 : index
      %get3A_243 = tpu.vector_load %arg28[%get3A_241, %get3A_242] {strides = array<i32>} : memref<128x64xf32, #tpu.memory_space<vmem>>, vector<16xf32>,
      %add3A_244 = arith.addf %get3A_240, %get3A_243 : vector<16xf32>
      %get3A_245 = arith.index_cast %mul3A_124 : i32 to index
      %get3A_246 = arith.constant 32 : index
      %get3A_247 = tpu.vector_load %arg26[%get3A_245, %get3A_246] {strides = array<i32>} : memref<128x64xf32, #tpu.memory_space<vmem>>, vector<16xf32>,
      %sub3A_248 = arith.subf %add3A_244, %get3A_247 : vector<16xf32>
      %abs3A_249 = math.absf %sub3A_248 : vector<16xf32>
      %mul3A_250 = arith.constant 5.000000e-01 : f32
      %mul3A_251 = vector.broadcast %mul3A_250 : f32 to vector<16xf32>
      %mul3A_252 = arith.mulf %mul3A_251, %abs3A_249 : vector<16xf32>
      %sub3A_253 = arith.subf %add3A_237, %mul3A_252 : vector<16xf32>
      %add3A_254 = arith.constant 1 : i32
      %add3A_255 = arith.addi %mul3A_124, %add3A_254 : i32
      %get3A_256 = arith.index_cast %add3A_255 : i32 to index
      %get3A_257 = arith.constant 32 : index
      %get3A_258 = tpu.vector_load %arg24[%get3A_256, %get3A_257] {strides = array<i32>} : memref<128x64xf32, #tpu.memory_space<vmem>>, vector<16xf32>,
      %add3A_259 = arith.constant 1 : i32
      %add3A_260 = arith.addi %mul3A_124, %add3A_259 : i32
      %get3A_261 = arith.index_cast %add3A_260 : i32 to index
      %get3A_262 = arith.constant 32 : index
      %get3A_263 = tpu.vector_load %arg28[%get3A_261, %get3A_262] {strides = array<i32>} : memref<128x64xf32, #tpu.memory_space<vmem>>, vector<16xf32>,
      %add3A_264 = arith.addf %get3A_258, %get3A_263 : vector<16xf32>
      %add3A_265 = arith.constant 1 : i32
      %add3A_266 = arith.addi %mul3A_124, %add3A_265 : i32
      %get3A_267 = arith.index_cast %add3A_266 : i32 to index
      %get3A_268 = arith.constant 32 : index
      %get3A_269 = tpu.vector_load %arg26[%get3A_267, %get3A_268] {strides = array<i32>} : memref<128x64xf32, #tpu.memory_space<vmem>>, vector<16xf32>,
      %sub3A_270 = arith.subf %add3A_264, %get3A_269 : vector<16xf32>
      %abs3A_271 = math.absf %sub3A_270 : vector<16xf32>
      %mul3A_272 = arith.constant 5.000000e-01 : f32
      %mul3A_273 = vector.broadcast %mul3A_272 : f32 to vector<16xf32>
      %mul3A_274 = arith.mulf %mul3A_273, %abs3A_271 : vector<16xf32>
      %sub3A_275 = arith.subf %sub3A_253, %mul3A_274 : vector<16xf32>
      %get3A_276 = arith.index_cast %scan3A_120 : i32 to index
      %get3A_277 = arith.constant 48 : index
      %get3A_278 = tpu.vector_load %arg20[%get3A_276, %get3A_277] {strides = array<i32>} : memref<128x64xf32, #tpu.memory_space<vmem>>, vector<16xf32>,
      %get3A_279 = arith.index_cast %scan3A_120 : i32 to index
      %get3A_280 = arith.constant 48 : index
      %get3A_281 = tpu.vector_load %arg22[%get3A_279, %get3A_280] {strides = array<i32>} : memref<128x64xf32, #tpu.memory_space<vmem>>, vector<16xf32>,
      %add3A_282 = arith.addf %get3A_278, %get3A_281 : vector<16xf32>
      %get3A_283 = arith.index_cast %scan3A_120 : i32 to index
      %get3A_284 = arith.constant 48 : index
      %get3A_285 = tpu.vector_load %arg21[%get3A_283, %get3A_284] {strides = array<i32>} : memref<128x64xf32, #tpu.memory_space<vmem>>, vector<16xf32>,
      %sub3A_286 = arith.subf %add3A_282, %get3A_285 : vector<16xf32>
      %abs3A_287 = math.absf %sub3A_286 : vector<16xf32>
      %add3A_288 = arith.addf %sub3A_275, %abs3A_287 : vector<16xf32>
      %get3A_289 = arith.index_cast %mul3A_124 : i32 to index
      %get3A_290 = arith.constant 48 : index
      %get3A_291 = tpu.vector_load %arg24[%get3A_289, %get3A_290] {strides = array<i32>} : memref<128x64xf32, #tpu.memory_space<vmem>>, vector<16xf32>,
      %get3A_292 = arith.index_cast %mul3A_124 : i32 to index
      %get3A_293 = arith.constant 48 : index
      %get3A_294 = tpu.vector_load %arg28[%get3A_292, %get3A_293] {strides = array<i32>} : memref<128x64xf32, #tpu.memory_space<vmem>>, vector<16xf32>,
      %add3A_295 = arith.addf %get3A_291, %get3A_294 : vector<16xf32>
      %get3A_296 = arith.index_cast %mul3A_124 : i32 to index
      %get3A_297 = arith.constant 48 : index
      %get3A_298 = tpu.vector_load %arg26[%get3A_296, %get3A_297] {strides = array<i32>} : memref<128x64xf32, #tpu.memory_space<vmem>>, vector<16xf32>,
      %sub3A_299 = arith.subf %add3A_295, %get3A_298 : vector<16xf32>
      %abs3A_300 = math.absf %sub3A_299 : vector<16xf32>
      %mul3A_301 = arith.constant 5.000000e-01 : f32
      %mul3A_302 = vector.broadcast %mul3A_301 : f32 to vector<16xf32>
      %mul3A_303 = arith.mulf %mul3A_302, %abs3A_300 : vector<16xf32>
      %sub3A_304 = arith.subf %add3A_288, %mul3A_303 : vector<16xf32>
      %add3A_305 = arith.constant 1 : i32
      %add3A_306 = arith.addi %mul3A_124, %add3A_305 : i32
      %get3A_307 = arith.index_cast %add3A_306 : i32 to index
      %get3A_308 = arith.constant 48 : index
      %get3A_309 = tpu.vector_load %arg24[%get3A_307, %get3A_308] {strides = array<i32>} : memref<128x64xf32, #tpu.memory_space<vmem>>, vector<16xf32>,
      %add3A_310 = arith.constant 1 : i32
      %add3A_311 = arith.addi %mul3A_124, %add3A_310 : i32
      %get3A_312 = arith.index_cast %add3A_311 : i32 to index
      %get3A_313 = arith.constant 48 : index
      %get3A_314 = tpu.vector_load %arg28[%get3A_312, %get3A_313] {strides = array<i32>} : memref<128x64xf32, #tpu.memory_space<vmem>>, vector<16xf32>,
      %add3A_315 = arith.addf %get3A_309, %get3A_314 : vector<16xf32>
      %add3A_316 = arith.constant 1 : i32
      %add3A_317 = arith.addi %mul3A_124, %add3A_316 : i32
      %get3A_318 = arith.index_cast %add3A_317 : i32 to index
      %get3A_319 = arith.constant 48 : index
      %get3A_320 = tpu.vector_load %arg26[%get3A_318, %get3A_319] {strides = array<i32>} : memref<128x64xf32, #tpu.memory_space<vmem>>, vector<16xf32>,
      %sub3A_321 = arith.subf %add3A_315, %get3A_320 : vector<16xf32>
      %abs3A_322 = math.absf %sub3A_321 : vector<16xf32>
      %mul3A_323 = arith.constant 5.000000e-01 : f32
      %mul3A_324 = vector.broadcast %mul3A_323 : f32 to vector<16xf32>
      %mul3A_325 = arith.mulf %mul3A_324, %abs3A_322 : vector<16xf32>
      %sub3A_326 = arith.subf %sub3A_304, %mul3A_325 : vector<16xf32>
      %reduce_sum3A = arith.constant true
      %reduce_sum3A_327 = vector.broadcast %reduce_sum3A : i1 to vector<16xi1>
      %reduce_sum3A_328 = tpu.scan <sum>, %sub3A_326 masked %reduce_sum3A_327 : vector<16xf32>, vector<16xi1> -> vector<16xf32>
      %reduce_sum3A_329 = vector.extract %reduce_sum3A_328[15] : f32 from vector<16xf32>
      %add3A_330 = arith.constant 1.000000e+00 : f32
      %add3A_331 = arith.addf %reduce_sum3A_329, %add3A_330 : f32
      %max3A = arith.constant 0.000000e+00 : f32
      %max3A_332 = arith.maximumf %add3A_331, %max3A : f32
      %add3A_333 = arith.addf %scan3A_121, %max3A_332 : f32
      scf.yield %add3A_333 : f32
    }
    %scan3A_111 = arith.constant 64 : i32
    %eq3A = arith.constant 0 : i32
    %eq3A_112 = vector.broadcast %eq3A : i32 to vector<16xi32>
    %eq3A_113 = arith.cmpi eq, %iota3A, %eq3A_112 : vector<16xi32>
    %jit3A = arith.constant 0.000000e+00 : f32
    %broadcast_in_dim3A_114 = vector.broadcast %scan3A_110 : f32 to vector<16xf32>
    %broadcast_in_dim3A_115 = vector.broadcast %jit3A : f32 to vector<16xf32>
    %select_n3A = arith.select %eq3A_113, %broadcast_in_dim3A_114, %broadcast_in_dim3A_115 : vector<16xi1>, vector<16xf32>
    %swap3A = arith.constant 0 : index
    %swap3A_116 = tpu.vector_load %arg31[%swap3A] {strides = array<i32>} : memref<16xf32, #tpu.memory_space<vmem>>, vector<16xf32>,
    tpu.vector_store %arg31[%swap3A], %select_n3A {strides = array<i32>} : memref<16xf32, #tpu.memory_space<vmem>>, vector<16xf32>,
    "tpu.region"() ({
      %run_scoped3A = tpu.sem_alloc : memref<!tpu.dma_semaphore, #tpu.memory_space<semaphore_mem>>
      %dma_start3A_120 = arith.constant 0 : i32
      %dma_start3A_121 = tpu.memref_slice %arg29[%arg1, %dma_start3A_120] : memref<16x16xf32, #tpu.memory_space<vmem_shared>> -> memref<1x16xf32, #tpu.memory_space<vmem_shared>>
      %dma_start3A_122 = tpu.memref_squeeze %dma_start3A_121 : memref<1x16xf32, #tpu.memory_space<vmem_shared>> -> memref<16xf32, #tpu.memory_space<vmem_shared>>
      %dma_start3A_123 = arith.constant 0 : i32
      %dma_start3A_124 = tpu.memref_slice %arg29[%arg1, %dma_start3A_123] : memref<16x16xf32, #tpu.memory_space<vmem_shared>> -> memref<1x16xf32, #tpu.memory_space<vmem_shared>>
      %dma_start3A_125 = tpu.memref_squeeze %dma_start3A_124 : memref<1x16xf32, #tpu.memory_space<vmem_shared>> -> memref<16xf32, #tpu.memory_space<vmem_shared>>
      tpu.enqueue_dma source(%arg31 : memref<16xf32, #tpu.memory_space<vmem>>) target(%dma_start3A_125 : memref<16xf32, #tpu.memory_space<vmem_shared>>) target_semaphore(%run_scoped3A : memref<!tpu.dma_semaphore, #tpu.memory_space<semaphore_mem>>)
      %dma_wait3A_126 = arith.constant 0 : i32
      %dma_wait3A_127 = tpu.memref_slice %arg29[%arg1, %dma_wait3A_126] : memref<16x16xf32, #tpu.memory_space<vmem_shared>> -> memref<1x16xf32, #tpu.memory_space<vmem_shared>>
      %dma_wait3A_128 = tpu.memref_squeeze %dma_wait3A_127 : memref<1x16xf32, #tpu.memory_space<vmem_shared>> -> memref<16xf32, #tpu.memory_space<vmem_shared>>
      %dma_wait3A_129 = arith.constant 0 : i32
      %dma_wait3A_130 = tpu.memref_slice %arg29[%arg1, %dma_wait3A_129] : memref<16x16xf32, #tpu.memory_space<vmem_shared>> -> memref<1x16xf32, #tpu.memory_space<vmem_shared>>
      %dma_wait3A_131 = tpu.memref_squeeze %dma_wait3A_130 : memref<1x16xf32, #tpu.memory_space<vmem_shared>> -> memref<16xf32, #tpu.memory_space<vmem_shared>>
      tpu.wait_dma2 semaphore(%run_scoped3A : memref<!tpu.dma_semaphore, #tpu.memory_space<semaphore_mem>>) src(%arg31 : memref<16xf32, #tpu.memory_space<vmem>>) dst(%dma_wait3A_131 : memref<16xf32, #tpu.memory_space<vmem_shared>>)
      tpu.yield
    }) : () -> ()
    %barrier3A = arith.constant 0 : index
    tpu.barrier barrier_id(%barrier3A)
    %eq3A_117 = arith.constant 0 : i32
    %eq3A_118 = arith.cmpi eq, %arg1, %eq3A_117 : i32
    %convert_element_type3A = arith.extui %eq3A_118 : i1 to i32
    %cond3A = arith.constant 0 : i32
    %cond3A_119 = arith.cmpi ne, %convert_element_type3A, %cond3A : i32
    scf.if %cond3A_119 {
      "tpu.region"() ({
        %run_scoped3A = tpu.sem_alloc : memref<!tpu.dma_semaphore, #tpu.memory_space<semaphore_mem>>
        tpu.enqueue_dma source(%arg29 : memref<16x16xf32, #tpu.memory_space<vmem_shared>>) target(%arg30 : memref<16x16xf32, #tpu.memory_space<vmem>>) target_semaphore(%run_scoped3A : memref<!tpu.dma_semaphore, #tpu.memory_space<semaphore_mem>>)
        tpu.wait_dma2 semaphore(%run_scoped3A : memref<!tpu.dma_semaphore, #tpu.memory_space<semaphore_mem>>) src(%arg29 : memref<16x16xf32, #tpu.memory_space<vmem_shared>>) dst(%arg30 : memref<16x16xf32, #tpu.memory_space<vmem>>)
        tpu.yield
      }) : () -> ()
      %broadcast_in_dim3A_120 = arith.constant 0.000000e+00 : f32
      %broadcast_in_dim3A_121 = vector.broadcast %broadcast_in_dim3A_120 : f32 to vector<16xf32>
      %get3A = arith.constant 0 : i32
      %get3A_122 = arith.index_cast %get3A : i32 to index
      %get3A_123 = arith.constant 0 : index
      %get3A_124 = tpu.vector_load %arg30[%get3A_122, %get3A_123] {strides = array<i32>} : memref<16x16xf32, #tpu.memory_space<vmem>>, vector<16xf32>,
      %add3A_125 = arith.addf %broadcast_in_dim3A_121, %get3A_124 : vector<16xf32>
      %get3A_126 = arith.constant 1 : i32
      %get3A_127 = arith.index_cast %get3A_126 : i32 to index
      %get3A_128 = arith.constant 0 : index
      %get3A_129 = tpu.vector_load %arg30[%get3A_127, %get3A_128] {strides = array<i32>} : memref<16x16xf32, #tpu.memory_space<vmem>>, vector<16xf32>,
      %add3A_130 = arith.addf %add3A_125, %get3A_129 : vector<16xf32>
      %get3A_131 = arith.constant 2 : i32
      %get3A_132 = arith.index_cast %get3A_131 : i32 to index
      %get3A_133 = arith.constant 0 : index
      %get3A_134 = tpu.vector_load %arg30[%get3A_132, %get3A_133] {strides = array<i32>} : memref<16x16xf32, #tpu.memory_space<vmem>>, vector<16xf32>,
      %add3A_135 = arith.addf %add3A_130, %get3A_134 : vector<16xf32>
      %get3A_136 = arith.constant 3 : i32
      %get3A_137 = arith.index_cast %get3A_136 : i32 to index
      %get3A_138 = arith.constant 0 : index
      %get3A_139 = tpu.vector_load %arg30[%get3A_137, %get3A_138] {strides = array<i32>} : memref<16x16xf32, #tpu.memory_space<vmem>>, vector<16xf32>,
      %add3A_140 = arith.addf %add3A_135, %get3A_139 : vector<16xf32>
      %get3A_141 = arith.constant 4 : i32
      %get3A_142 = arith.index_cast %get3A_141 : i32 to index
      %get3A_143 = arith.constant 0 : index
      %get3A_144 = tpu.vector_load %arg30[%get3A_142, %get3A_143] {strides = array<i32>} : memref<16x16xf32, #tpu.memory_space<vmem>>, vector<16xf32>,
      %add3A_145 = arith.addf %add3A_140, %get3A_144 : vector<16xf32>
      %get3A_146 = arith.constant 5 : i32
      %get3A_147 = arith.index_cast %get3A_146 : i32 to index
      %get3A_148 = arith.constant 0 : index
      %get3A_149 = tpu.vector_load %arg30[%get3A_147, %get3A_148] {strides = array<i32>} : memref<16x16xf32, #tpu.memory_space<vmem>>, vector<16xf32>,
      %add3A_150 = arith.addf %add3A_145, %get3A_149 : vector<16xf32>
      %get3A_151 = arith.constant 6 : i32
      %get3A_152 = arith.index_cast %get3A_151 : i32 to index
      %get3A_153 = arith.constant 0 : index
      %get3A_154 = tpu.vector_load %arg30[%get3A_152, %get3A_153] {strides = array<i32>} : memref<16x16xf32, #tpu.memory_space<vmem>>, vector<16xf32>,
      %add3A_155 = arith.addf %add3A_150, %get3A_154 : vector<16xf32>
      %get3A_156 = arith.constant 7 : i32
      %get3A_157 = arith.index_cast %get3A_156 : i32 to index
      %get3A_158 = arith.constant 0 : index
      %get3A_159 = tpu.vector_load %arg30[%get3A_157, %get3A_158] {strides = array<i32>} : memref<16x16xf32, #tpu.memory_space<vmem>>, vector<16xf32>,
      %add3A_160 = arith.addf %add3A_155, %get3A_159 : vector<16xf32>
      %get3A_161 = arith.constant 8 : i32
      %get3A_162 = arith.index_cast %get3A_161 : i32 to index
      %get3A_163 = arith.constant 0 : index
      %get3A_164 = tpu.vector_load %arg30[%get3A_162, %get3A_163] {strides = array<i32>} : memref<16x16xf32, #tpu.memory_space<vmem>>, vector<16xf32>,
      %add3A_165 = arith.addf %add3A_160, %get3A_164 : vector<16xf32>
      %get3A_166 = arith.constant 9 : i32
      %get3A_167 = arith.index_cast %get3A_166 : i32 to index
      %get3A_168 = arith.constant 0 : index
      %get3A_169 = tpu.vector_load %arg30[%get3A_167, %get3A_168] {strides = array<i32>} : memref<16x16xf32, #tpu.memory_space<vmem>>, vector<16xf32>,
      %add3A_170 = arith.addf %add3A_165, %get3A_169 : vector<16xf32>
      %get3A_171 = arith.constant 10 : i32
      %get3A_172 = arith.index_cast %get3A_171 : i32 to index
      %get3A_173 = arith.constant 0 : index
      %get3A_174 = tpu.vector_load %arg30[%get3A_172, %get3A_173] {strides = array<i32>} : memref<16x16xf32, #tpu.memory_space<vmem>>, vector<16xf32>,
      %add3A_175 = arith.addf %add3A_170, %get3A_174 : vector<16xf32>
      %get3A_176 = arith.constant 11 : i32
      %get3A_177 = arith.index_cast %get3A_176 : i32 to index
      %get3A_178 = arith.constant 0 : index
      %get3A_179 = tpu.vector_load %arg30[%get3A_177, %get3A_178] {strides = array<i32>} : memref<16x16xf32, #tpu.memory_space<vmem>>, vector<16xf32>,
      %add3A_180 = arith.addf %add3A_175, %get3A_179 : vector<16xf32>
      %get3A_181 = arith.constant 12 : i32
      %get3A_182 = arith.index_cast %get3A_181 : i32 to index
      %get3A_183 = arith.constant 0 : index
      %get3A_184 = tpu.vector_load %arg30[%get3A_182, %get3A_183] {strides = array<i32>} : memref<16x16xf32, #tpu.memory_space<vmem>>, vector<16xf32>,
      %add3A_185 = arith.addf %add3A_180, %get3A_184 : vector<16xf32>
      %get3A_186 = arith.constant 13 : i32
      %get3A_187 = arith.index_cast %get3A_186 : i32 to index
      %get3A_188 = arith.constant 0 : index
      %get3A_189 = tpu.vector_load %arg30[%get3A_187, %get3A_188] {strides = array<i32>} : memref<16x16xf32, #tpu.memory_space<vmem>>, vector<16xf32>,
      %add3A_190 = arith.addf %add3A_185, %get3A_189 : vector<16xf32>
      %get3A_191 = arith.constant 14 : i32
      %get3A_192 = arith.index_cast %get3A_191 : i32 to index
      %get3A_193 = arith.constant 0 : index
      %get3A_194 = tpu.vector_load %arg30[%get3A_192, %get3A_193] {strides = array<i32>} : memref<16x16xf32, #tpu.memory_space<vmem>>, vector<16xf32>,
      %add3A_195 = arith.addf %add3A_190, %get3A_194 : vector<16xf32>
      %get3A_196 = arith.constant 15 : i32
      %get3A_197 = arith.index_cast %get3A_196 : i32 to index
      %get3A_198 = arith.constant 0 : index
      %get3A_199 = tpu.vector_load %arg30[%get3A_197, %get3A_198] {strides = array<i32>} : memref<16x16xf32, #tpu.memory_space<vmem>>, vector<16xf32>,
      %add3A_200 = arith.addf %add3A_195, %get3A_199 : vector<16xf32>
      %reduce_sum3A = arith.constant true
      %reduce_sum3A_201 = vector.broadcast %reduce_sum3A : i1 to vector<16xi1>
      %reduce_sum3A_202 = tpu.scan <sum>, %add3A_200 masked %reduce_sum3A_201 : vector<16xf32>, vector<16xi1> -> vector<16xf32>
      %reduce_sum3A_203 = vector.extract %reduce_sum3A_202[15] : f32 from vector<16xf32>
      %broadcast_in_dim3A_204 = vector.broadcast %reduce_sum3A_203 : f32 to vector<16xf32>
      %swap3A_205 = arith.constant 0 : index
      %swap3A_206 = tpu.vector_load %arg31[%swap3A_205] {strides = array<i32>} : memref<16xf32, #tpu.memory_space<vmem>>, vector<16xf32>,
      tpu.vector_store %arg31[%swap3A_205], %broadcast_in_dim3A_204 {strides = array<i32>} : memref<16xf32, #tpu.memory_space<vmem>>, vector<16xf32>,
      "tpu.region"() ({
        %run_scoped3A = tpu.sem_alloc : memref<!tpu.dma_semaphore, #tpu.memory_space<semaphore_mem>>
        %dma_start3A_207 = arith.constant 0 : i32
        %dma_start3A_208 = tpu.memref_slice %arg10[%arg0, %dma_start3A_207] : memref<2x16xf32, #tpu.memory_space<hbm>> -> memref<1x16xf32, #tpu.memory_space<hbm>>
        %dma_start3A_209 = tpu.memref_squeeze %dma_start3A_208 : memref<1x16xf32, #tpu.memory_space<hbm>> -> memref<16xf32, #tpu.memory_space<hbm>>
        %dma_start3A_210 = arith.constant 0 : i32
        %dma_start3A_211 = tpu.memref_slice %arg10[%arg0, %dma_start3A_210] : memref<2x16xf32, #tpu.memory_space<hbm>> -> memref<1x16xf32, #tpu.memory_space<hbm>>
        %dma_start3A_212 = tpu.memref_squeeze %dma_start3A_211 : memref<1x16xf32, #tpu.memory_space<hbm>> -> memref<16xf32, #tpu.memory_space<hbm>>
        tpu.enqueue_dma source(%arg31 : memref<16xf32, #tpu.memory_space<vmem>>) target(%dma_start3A_212 : memref<16xf32, #tpu.memory_space<hbm>>) target_semaphore(%run_scoped3A : memref<!tpu.dma_semaphore, #tpu.memory_space<semaphore_mem>>)
        %dma_wait3A_213 = arith.constant 0 : i32
        %dma_wait3A_214 = tpu.memref_slice %arg10[%arg0, %dma_wait3A_213] : memref<2x16xf32, #tpu.memory_space<hbm>> -> memref<1x16xf32, #tpu.memory_space<hbm>>
        %dma_wait3A_215 = tpu.memref_squeeze %dma_wait3A_214 : memref<1x16xf32, #tpu.memory_space<hbm>> -> memref<16xf32, #tpu.memory_space<hbm>>
        %dma_wait3A_216 = arith.constant 0 : i32
        %dma_wait3A_217 = tpu.memref_slice %arg10[%arg0, %dma_wait3A_216] : memref<2x16xf32, #tpu.memory_space<hbm>> -> memref<1x16xf32, #tpu.memory_space<hbm>>
        %dma_wait3A_218 = tpu.memref_squeeze %dma_wait3A_217 : memref<1x16xf32, #tpu.memory_space<hbm>> -> memref<16xf32, #tpu.memory_space<hbm>>
        tpu.wait_dma2 semaphore(%run_scoped3A : memref<!tpu.dma_semaphore, #tpu.memory_space<semaphore_mem>>) src(%arg31 : memref<16xf32, #tpu.memory_space<vmem>>) dst(%dma_wait3A_218 : memref<16xf32, #tpu.memory_space<hbm>>)
        tpu.yield
      }) : () -> ()
    } else {
    }
    return
  }
}

</mosaic_0001>

<sc_bundles>
// kernel: _transe_loss.3.cloned.1.call-start
scs
__scs_entry_jumppad:
0x0: {  	(pc) =	sbr.rel $0x88, $3  }
0x1: {  	(tag) =	ssettag $0x0;
	lr =	simm.s32 $0x1  }
0x2: {  	[smem:$0x3F99] =	sst lr;
	_ =	strace $0xD0000000  }
0x3: {  	_ = 	snop  }
0x4: {  	_ = 	snop  }
0x5: {  	_ = 	snop  }
0x6: {  	_ = 	snop  }
0x7: {  	_ = 	snop  }
__scs_overlays_trampoline_lowered:
0x8: {  	[smem:$0x3FA8] =	sst s0  }
0x9: {  	[smem:$0x3FA9] =	sst s1  }
0xa: {  	[smem:$0x3FAA] =	sst s2  }
0xb: {  	[smem:$0x3FAB] =	sst s3  }
0xc: {  	[smem:$0x3FAC] =	sst s4  }
0xd: {  	[smem:$0x3FAD] =	sst s5  }
0xe: {  	[smem:$0x3FAE] =	sst s6  }
0xf: {  	[smem:$0x3FAF] =	sst s7  }
0x10: {  	[smem:$0x3FB0] =	sst s8  }
0x11: {  	[smem:$0x3FB1] =	sst s9;
	s0 =	simm.s32 @!p0 $0x0  }
0x12: {  	s1 =	sld [smem:$0x3F97];
	s0 =	simm.s32 @p0 $0x1  }
0x13: {  	[smem:$0x3FB2] =	sst s0;
	s0 =	simm.s32 @!p1 $0x0  }
0x14: {  	s2 =	sld [smem:$0x3F96];
	s0 =	simm.s32 @p1 $0x1  }
0x15: {  	[smem:$0x3FB3] =	sst s0;
	s0 =	simm.s32 @!p2 $0x0  }
0x16: {  	s3 =	sld [smem:$0x3FDB];
	s0 =	simm.s32 @p2 $0x1  }
0x17: {  	s4 =	simm.s32 $0x1BF5;
	[smem:$0x3FB5] =	sst s0  }
0x18: {  	s0 =	sld [smem:$0x3F98];
	_ =	swait.ge [sflag:s4], $0x0  }
0x19: {  	s7 =	sld [smem:$0x3F99]  }
0x1a: {  	s8 =	sadd.s32 $0xFFFFE003, lr  }
0x1b: {  	s9 =	sadd.s32 $0xFFFFFEF7, lr;
	s5 =	simm.s32 $0xFFFFFFFF;
	p2 =	slt.u32 s8, $0xFFFFF086  }
0x1c: {  	p1 =	slt.u32 s9, $0xF7A;
	s5 =	simm.s32 @!p2 $0x0  }
0x1d: {  	s5 =	simm.s32 @p1 $0x1;
	p0 =	seq.s32 s7, s2  }
0x1e: {  	s7 =	smul.u32 @!p0 $0xF7A, s2;
	p2 =	seq.s32 @!p0 s5, $0x0  }
0x1f: {  	s9 =	smul.u32 $0xF7A, s1;
	s8 =	simm.s32 @!p0 $0x1BF5;
	p2 =	por !p2, p0  }
0x20: {  	[sflag:s8] =	ssyncset.s32 @!p0 $0xFFFFF086;
	s6 =	sadd.s32 @!p0 s3, s7;
	s7 =	simm.s32 @!p0 $0x108  }
0x21: {  	s3 =	sadd.s32 s3, s9;
	s6 =	sadd.s32 @!p0 $0x88, s6;
	s7 =	simm.s32 @p2 $0x1082  }
0x22: {  	[simem:s7], [sflag:s8] =	dma.local @!p0 [hbm:s6], $0xF7A  }
0x23: {  	s9 =	sor.u32 $0xD0000000, s2;
	s6 =	simm.s32 $0x108;
	_ =	swait.ge @!p0 [sflag:s8], $0x0  }
0x24: {  	s3 =	sadd.s32 $0x88, s3;
	s6 =	simm.s32 @!p1 $0x1082;
	[sflag:s4] =	ssyncset.s32 $0xFFFFF086  }
0x25: {  	[simem:s6], [sflag:s4] =	dma.local [hbm:s3], $0xF7A  }
0x26: {  	[smem:$0x3F99] =	sst s1;
	(tag) =	ssettag s2;
	_ =	strace s9  }
0x27: {  	s1 =	sld [smem:$0x3FA9]  }
0x28: {  	s2 =	sld [smem:$0x3FAA]  }
0x29: {  	s4 =	sld [smem:$0x3FAC]  }
0x2a: {  	p0 =	seq.s32 s5, $0x0;
	s5 =	sld [smem:$0x3FAD]  }
0x2b: {  	s6 =	sld [smem:$0x3FAE]  }
0x2c: {  	s7 =	sld [smem:$0x3FAF]  }
0x2d: {  	s3 =	simm.s32 $0x108;
	s8 =	sld [smem:$0x3FB0]  }
0x2e: {  	s3 =	simm.s32 @!p0 $0x1082;
	s9 =	sld [smem:$0x3FB1]  }
0x2f: {  	lr =	sadd.s32 s0, s3;
	s0 =	sld [smem:$0x3FA8]  }
0x30: {  	s3 =	sld [smem:$0x3FAB]  }
0x31: {  	[smem:$0x3FB4] =	sst s10  }
0x32: {  	s10 =	sld [smem:$0x3FB2];
	_ =	sdelay $0x3  }
0x33: {  	p0 =	seq.s32 s10, $0x1;
	s10 =	sld [smem:$0x3FB4];
	_ =	sdelay $0x3  }
0x34: {  	[smem:$0x3FB4] =	sst s10  }
0x35: {  	s10 =	sld [smem:$0x3FB3];
	_ =	sdelay $0x3  }
0x36: {  	p1 =	seq.s32 s10, $0x1;
	s10 =	sld [smem:$0x3FB4];
	_ =	sdelay $0x3  }
0x37: {  	[smem:$0x3FB4] =	sst s10  }
0x38: {  	s10 =	sld [smem:$0x3FB5]  }
0x39: {  	_ = 	snop;
	(pc) =	sbr.ind lr, $3  }
0x3a: {  	_ = 	snop  }
0x3b: {  	_ = 	snop  }
0x3c: {  	p2 =	seq.s32 s10, $0x1;
	s10 =	sld [smem:$0x3FB4]  }
0x3d: {  	_ =	shalt  }
0x3e: {  	_ =	shalt  }
0x3f: {  	_ =	shalt  }
0x40: {  	_ =	shalt  }
0x41: {  	_ =	shalt  }
0x42: {  	_ =	shalt  }
0x43: {  	_ =	shalt  }
0x44: {  	_ =	shalt  }
0x45: {  	_ =	shalt  }
0x46: {  	_ =	shalt  }
0x47: {  	_ =	shalt  }
0x48: {  	_ =	shalt  }
0x49: {  	_ =	shalt  }
0x4a: {  	_ =	shalt  }
0x4b: {  	_ =	shalt  }
0x4c: {  	_ =	shalt  }
0x4d: {  	_ =	shalt  }
0x4e: {  	_ =	shalt  }
0x4f: {  	_ =	shalt  }
0x50: {  	_ =	shalt  }
0x51: {  	_ =	shalt  }
0x52: {  	_ =	shalt  }
0x53: {  	_ =	shalt  }
0x54: {  	_ =	shalt  }
0x55: {  	_ =	shalt  }
0x56: {  	_ =	shalt  }
0x57: {  	_ =	shalt  }
0x58: {  	_ =	shalt  }
0x59: {  	_ =	shalt  }
0x5a: {  	_ =	shalt  }
0x5b: {  	_ =	shalt  }
0x5c: {  	_ =	shalt  }
0x5d: {  	_ =	shalt  }
0x5e: {  	_ =	shalt  }
0x5f: {  	_ =	shalt  }
0x60: {  	_ =	shalt  }
0x61: {  	_ =	shalt  }
0x62: {  	_ =	shalt  }
0x63: {  	_ =	shalt  }
0x64: {  	_ =	shalt  }
0x65: {  	_ =	shalt  }
0x66: {  	_ =	shalt  }
0x67: {  	_ =	shalt  }
0x68: {  	_ =	shalt  }
0x69: {  	_ =	shalt  }
0x6a: {  	_ =	shalt  }
0x6b: {  	_ =	shalt  }
0x6c: {  	_ =	shalt  }
0x6d: {  	_ =	shalt  }
0x6e: {  	_ =	shalt  }
0x6f: {  	_ =	shalt  }
0x70: {  	_ =	shalt  }
0x71: {  	_ =	shalt  }
0x72: {  	_ =	shalt  }
0x73: {  	_ =	shalt  }
0x74: {  	_ =	shalt  }
0x75: {  	_ =	shalt  }
0x76: {  	_ =	shalt  }
0x77: {  	_ =	shalt  }
0x78: {  	_ =	shalt  }
0x79: {  	_ =	shalt  }
0x7a: {  	_ =	shalt  }
0x7b: {  	_ =	shalt  }
0x7c: {  	_ =	shalt  }
0x7d: {  	_ =	shalt  }
0x7e: {  	_ =	shalt  }
0x7f: {  	_ =	shalt  }
0x80: {  	_ =	shalt  }
0x81: {  	_ =	shalt  }
0x82: {  	_ =	shalt  }
0x83: {  	_ =	shalt  }
0x84: {  	_ =	shalt  }
0x85: {  	_ =	shalt  }
0x86: {  	_ =	shalt  }
0x87: {  	_ =	shalt  }
.Lfunc_end0:
.L_simem_size_0:
called_computation_lowered:
.L_overlay_start_0:
0x88: {  	s2 =	sld [smem:$0x3FD9]  }
0x89: {  	s3 =	sld [smem:$0x3FFE];
	_ =	sdelay $0x1  }
0x8a: {  	s1 =	srdreg.scid  }
0x8b: {  	s0 =	sand.u32 $0x1, s1  }
0x8c: {  	s17 =	sshll.u32 s0, $0xA;
	s2 =	sadd.s32 s3, s2  }
0x8d: {  	s2 =	sadd.s32 s2, s17  }
0x8e: {  	[smem:$0x3FC0] =	sst s2  }
0x8f: {  	_ = 	snop  }
0x90: {  	s2 =	sld [smem:$0x3FC9]  }
0x91: {  	s18 =	sld [smem:$0x3FC8]  }
0x92: {  	s4 =	sld [smem:$0x3FC7]  }
0x93: {  	s5 =	sld [smem:$0x3FC6]  }
0x94: {  	s6 =	sld [smem:$0x3FC5]  }
0x95: {  	s7 =	sld [smem:$0x3FC4]  }
0x96: {  	s8 =	sld [smem:$0x3FD0];
	(tm) =	ssettm $0x1  }
0x97: {  	s9 =	sld [smem:$0x3FFB];
	_ =	sdelay $0x3  }
0x98: {  	_ =	strace s9  }
0x99: {  	s9 =	sld [smem:$0x3FFC];
	_ =	sdelay $0x3  }
0x9a: {  	_ =	strace s9  }
0x9b: {  	s9 =	sld [smem:$0x3FFD];
	_ =	sdelay $0x3  }
0x9c: {  	_ =	strace s9  }
0x9d: {  	_ =	strace $0x8FFFFFFF  }
0x9e: {  	s19 =	sld [smem:$0x3FDB];
	_ =	sdelay $0x1  }
0x9f: {  	s10 =	simm.s32 $_scs_section_size  }
0xa0: {  	s11 =	simm.s32 $_size__tile_overlayer_lowered;
	s12 =	simm.s32 $_tile_overlayer_lowered  }
0xa1: {  	s22 =	simm.s32 $0x1BFF;
	s21 =	sshll.u32 s12, $0x1;
	s9 =	sadd.s32 s10, s19  }
0xa2: {  	s13 =	simm.s32 $0x0;
	s20 =	sshll.u32 s11, $0x1;
	s11 =	sadd.s32 s21, s9  }
0xa3: {  	[timem:s13], [sflag:s22] =	dma.local [hbm:s11], s20  }
0xa4: {  	_ =	swait.ge [sflag:s22], s20  }
0xa5: {  	s10 =	ssub.s32 $0x0, s20;
	[sflag:s22] =	ssyncset.done $0x0  }
0xa6: {  	[sflag:s22] =	ssyncadd.s32 s10;
	_ =	sdelay $0x1  }
0xa7: {  	s23 =	simm.s32 $0x1B8B  }
0xa8: {  	_ =	swait.ge [sflag:s23], $0x1  }
0xa9: {  	[sflag:s23] =	ssyncset.done $0x0  }
0xaa: {  	s25 =	simm.s32 $0x1B8E;
	s24 =	sld [smem:$0x3FFE];
	[sflag:s23] =	ssyncadd.s32 $0xFFFFFFFF  }
0xab: {  	s26 =	simm.s32 $execute0_lowered;
	[smem:$0x3FD2] =	sst s25  }
0xac: {  	s11 =	sshll.u32 s26, $0x1;
	_ =	strace $0x80000046;
	[dreg:$0x1] =	wrdreg $0xFFFFFFFF  }
0xad: {  	s28 =	simm.s32 $_size_execute0_lowered;
	s9 =	sadd.s32 s9, s11;
	[dreg:$0x0] =	wrdreg $0x0  }
0xae: {  	s11 =	sshll.u32 s28, $0x1;
	[dreg:$0x2] =	wrdreg s9  }
0xaf: {  	[dreg:$0x3] =	wrdreg s11  }
0xb0: {  	[dreg:$0x4] =	wrdreg $0xC0  }
0xb1: {  	_ =	task [dreg:s13], $0x5FFFF  }
0xb2: {  	[dreg:$0x1] =	wrdreg $0xFFFFFFFF  }
0xb3: {  	[dreg:$0x0] =	wrdreg $0x60  }
0xb4: {  	[dreg:$0x2] =	wrdreg s2  }
0xb5: {  	[dreg:$0x3] =	wrdreg s18  }
0xb6: {  	[dreg:$0x4] =	wrdreg s4  }
0xb7: {  	[dreg:$0x5] =	wrdreg s5  }
0xb8: {  	[dreg:$0x6] =	wrdreg s6  }
0xb9: {  	[dreg:$0x7] =	wrdreg s7  }
0xba: {  	[dreg:$0x8] =	wrdreg s24  }
0xbb: {  	[dreg:$0x9] =	wrdreg s8  }
0xbc: {  	[dreg:$0xa] =	wrdreg $0x124800  }
0xbd: {  	[dreg:$0xb] =	wrdreg $0x9  }
0xbe: {  	_ =	task.clear_ibuf [dreg:s13], $0xCFFFF;
	_ =	strace $0x90000046  }
0xbf: {  	s29 =	simm.s32 $0x9;
	_ =	strace $0x80000048  }
0xc0: {  	_ =	swait.ge [sflag:s29], $0x1  }
0xc1: {  	[sflag:s29] =	ssyncadd.s32 $0xFFFFFFFF  }
0xc2: {  	_ =	strace $0x90000048  }
0xc3: {  	_ =	sfence  }
0xc4: {  	s30 =	sld [smem:$0x0];
	_ =	sdelay $0x2  }
0xc5: {  	s31 =	sshll.u32 s1, $0xD;
	s1 =	sshrl.u32 s1, $0x2  }
0xc6: {  	s3 =	sand.u32 $0x4000, s31;
	s1 =	sadd.s32 s1, s30  }
0xc7: {  	s0 =	sor.u32 s3, s0;
	s1 =	sshll.u32 s1, $0x11  }
0xc8: {  	s0 =	sor.u32 s1, s0  }
0xc9: {  	s0 =	sadd.s32 $0x8F2B, s0  }
0xca: {  	[sflag:s0] =	ssyncadd.remote.s32 $0x1  }
0xcb: {  	_ =	sfence.sel $0xFFFF  }
0xcc: {  	[dreg:$0x0] =	wrdreg $0xFFFFFFFF;
	(pc) =	sbr.abs _section_cstart, $3  }
0xcd: {  	[dreg:$0x1] =	wrdreg $0xFFFFFFFF  }
0xce: {  	_ =	task.clear_ibuf [dreg:s13], $0x2FFFF;
	_ =	strace $0x9FFFFFFF  }
0xcf: {  	(tm) =	ssettm $0x7FFFFFFF  }
tec
execute0_lowered:
.L_overlay_start_1:
0x0: {  	(tag) =	ssettag $0x1  }
0x1: {  	s0 =	rddreg [dreg:$0x0]  }
0x2: {  	s1 =	rddreg [dreg:$0x1]  }
0x3: {  	s5 =	rddreg [dreg:$0x2]  }
0x4: {  	s9 =	rddreg [dreg:$0x3]  }
0x5: {  	s13 =	rddreg [dreg:$0x4]  }
0x6: {  	s11 =	rddreg [dreg:$0x5]  }
0x7: {  	s4 =	rddreg [dreg:$0x6]  }
0x8: {  	s15 =	rddreg [dreg:$0x7]  }
0x9: {  	s14 =	rddreg [dreg:$0x8];
	s2 =	simm.s32 $0x0  }
0xa: {  	s3 =	srdreg.scid;
	s25 =	stileid.u32;
	s18 =	simm.s32 $0x100  }
0xb: {  	s19 =	simm.s32 $0x180;
	s20 =	simm.s32 $0x200;
	s21 =	simm.s32 $0x280  }
0xc: {  	s22 =	simm.s32 $0x300;
	s23 =	simm.s32 $0x380;
	s30 =	simm.s32 $0x2  }
0xd: {  	s31 =	simm.s32 $0x0;
	[smem:$0x7FF] =	sst s2;
	s16 =	sand.u32 $0x1, s3  }
0xe: {  	s6 =	sshll.u32 s25, $0x1;
	s3 =	sadd.s32 $0xF42C00, s4;
	s4 =	sadd.s32 $0x800, s4  }
0xf: {  	s28 =	sshll.u32 s25, $0x4;
	p0 =	sne.s32 s25, $0x0;
	s25 =	simm.s32 $0x1  }
0x10: {  	_ =	strace $0x80000047;
	s7 =	ssub.s32 $0x2, s16;
	s6 =	sor.u32 s16, s6  }
0x11: {  	s14 =	sadd.s32 s28, s14;
	s29 =	sshll.u32 s16, $0x1;
	s8 =	sshrl.u32 s7, $0x1  }
0x12: {  	s10 =	sshll.u32 s6, $0x4;
	s24 =	sshll.u32 s6, $0x5;
	s15 =	sadd.s32 s15, s29  }
0x13: {  	s17 =	ssub.s32 s7, s8;
	s0 =	sadd.s32 s0, s10;
	s6 =	sadd.s32 s5, s10  }
0x14: {  	s7 =	sadd.s32 s1, s10;
	s26 =	sor.u32 $0x10, s24;
	s8 =	sadd.s32 s9, s24  }
0x15: {  	s10 =	sadd.s32 s11, s24;
	s12 =	sadd.s32 s13, s24;
	s24 =	simm.s32 $0x400  }
0x16: {  	[dreg:$0xa] =	wrdreg s0;
	s9 =	sadd.s32 s9, s26;
	s11 =	sadd.s32 s11, s26  }
0x17: {  	vm0 =	vcmask $0x300;
	s13 =	sadd.s32 s13, s26;
	s16 =	smax.u32 s17, $0x1;
	s17 =	simm.s32 $0x80  }
.LBB2_1:
0x18: {  	s0 =	rddreg [dreg:$0xa]  }
0x19: {  	[tilespmem:s2], [sflag:$0x1] =	stream.linear.gather [hbm4b:s0+s2], $0x80, $0x38;
	[tilespmem:$0x125A0] =	vst v63  }
0x1a: {  	_ = 	snop  }
0x1b: {  	[tilespmem:s17], [sflag:$0x1] =	stream.linear.gather [hbm4b:s6+s2], $0x80, $0x38;
	[tilespmem:$0x125A0] =	vst v63  }
0x1c: {  	_ = 	snop  }
0x1d: {  	[tilespmem:s18], [sflag:$0x1] =	stream.linear.gather [hbm4b:s7+s2], $0x80, $0x38;
	[tilespmem:$0x125A0] =	vst v63  }
0x1e: {  	_ = 	snop  }
0x1f: {  	[tilespmem:s19], [sflag:$0x1] =	stream.linear.gather [hbm4b:s8+s2], $0x80, $0x38;
	[tilespmem:$0x125A0] =	vst v63  }
0x20: {  	_ = 	snop  }
0x21: {  	[tilespmem:s20], [sflag:$0x1] =	stream.linear.gather [hbm4b:s9+s2], $0x80, $0x38;
	[tilespmem:$0x125A0] =	vst v63  }
0x22: {  	_ = 	snop  }
0x23: {  	[tilespmem:s21], [sflag:$0x1] =	stream.linear.gather [hbm4b:s10+s2], $0x80, $0x38;
	[tilespmem:$0x125A0] =	vst v63  }
0x24: {  	_ = 	snop  }
0x25: {  	[tilespmem:s22], [sflag:$0x1] =	stream.linear.gather [hbm4b:s11+s2], $0x80, $0x38;
	[tilespmem:$0x125A0] =	vst v63  }
0x26: {  	_ = 	snop  }
0x27: {  	[tilespmem:s23], [sflag:$0x1] =	stream.linear.gather [hbm4b:s12+s2], $0x80, $0x38;
	[tilespmem:$0x125A0] =	vst v63  }
0x28: {  	_ = 	snop  }
0x29: {  	[tilespmem:s24], [sflag:$0x1] =	stream.linear.gather [hbm4b:s13+s2], $0x80, $0x38;
	[tilespmem:$0x125A0] =	vst v63  }
0x2a: {  	_ =	swait.ge [sflag:s25], $0x80  }
0x2b: {  	[sflag:s25] =	ssyncset.done $0x0  }
0x2c: {  	[sflag:s25] =	ssyncadd.s32 $0xFFFFFF80  }
0x2d: {  	_ =	swait.ge [sflag:s25], $0x80  }
0x2e: {  	[sflag:s25] =	ssyncset.done $0x0  }
0x2f: {  	[sflag:s25] =	ssyncadd.s32 $0xFFFFFF80  }
0x30: {  	_ =	swait.ge [sflag:s25], $0x80  }
0x31: {  	[sflag:s25] =	ssyncset.done $0x0  }
0x32: {  	[sflag:s25] =	ssyncadd.s32 $0xFFFFFF80  }
0x33: {  	_ =	swait.ge [sflag:s25], $0x80  }
0x34: {  	[sflag:s25] =	ssyncset.done $0x0  }
0x35: {  	[sflag:s25] =	ssyncadd.s32 $0xFFFFFF80  }
0x36: {  	_ =	swait.ge [sflag:s25], $0x80  }
0x37: {  	[sflag:s25] =	ssyncset.done $0x0  }
0x38: {  	[sflag:s25] =	ssyncadd.s32 $0xFFFFFF80  }
0x39: {  	_ =	swait.ge [sflag:s25], $0x80  }
0x3a: {  	[sflag:s25] =	ssyncset.done $0x0  }
0x3b: {  	[sflag:s25] =	ssyncadd.s32 $0xFFFFFF80  }
0x3c: {  	_ =	swait.ge [sflag:s25], $0x80  }
0x3d: {  	[sflag:s25] =	ssyncset.done $0x0  }
0x3e: {  	[sflag:s25] =	ssyncadd.s32 $0xFFFFFF80  }
0x3f: {  	_ =	swait.ge [sflag:s25], $0x80  }
0x40: {  	[sflag:s25] =	ssyncset.done $0x0  }
0x41: {  	[sflag:s25] =	ssyncadd.s32 $0xFFFFFF80  }
0x42: {  	_ =	swait.ge [sflag:s25], $0x80  }
0x43: {  	[sflag:s25] =	ssyncset.done $0x0  }
0x44: {  	s26 =	simm.s32 $0x480;
	[sflag:s25] =	ssyncadd.s32 $0xFFFFFF80  }
0x45: {  	[tilespmem:s26], [sflag:$0x1] =	stream.indirect.gather [hbm4b:s3+s17], $0x40, s2, s17, $0xb8;
	[tilespmem:$0x125A0] =	vst v63  }
0x46: {  	s1 =	simm.s32 $0x2480  }
0x47: {  	[tilespmem:s1], [sflag:$0x1] =	stream.indirect.gather [hbm4b:s3+s17], $0x40, s17, s17, $0xb8;
	[tilespmem:$0x125A0] =	vst v63  }
0x48: {  	s5 =	simm.s32 $0x4480  }
0x49: {  	[tilespmem:s5], [sflag:$0x1] =	stream.indirect.gather [hbm4b:s4+s17], $0x40, s18, s17, $0xb8;
	[tilespmem:$0x125A0] =	vst v63  }
0x4a: {  	s26 =	simm.s32 $0x6480  }
0x4b: {  	[tilespmem:s26], [sflag:$0x1] =	stream.indirect.gather [hbm4b:s3+s17], $0x40, s19, s17, $0xb8;
	[tilespmem:$0x125A0] =	vst v63  }
0x4c: {  	s1 =	simm.s32 $0x8480  }
0x4d: {  	[tilespmem:s1], [sflag:$0x1] =	stream.indirect.gather [hbm4b:s3+s17], $0x40, s20, s17, $0xb8;
	[tilespmem:$0x125A0] =	vst v63  }
0x4e: {  	s5 =	simm.s32 $0xA480  }
0x4f: {  	[tilespmem:s5], [sflag:$0x1] =	stream.indirect.gather [hbm4b:s3+s17], $0x40, s21, s17, $0xb8;
	[tilespmem:$0x125A0] =	vst v63  }
0x50: {  	s26 =	simm.s32 $0xC480  }
0x51: {  	[tilespmem:s26], [sflag:$0x1] =	stream.indirect.gather [hbm4b:s3+s17], $0x40, s22, s17, $0xb8;
	[tilespmem:$0x125A0] =	vst v63  }
0x52: {  	s1 =	simm.s32 $0xE480  }
0x53: {  	[tilespmem:s1], [sflag:$0x1] =	stream.indirect.gather [hbm4b:s4+s17], $0x40, s23, s17, $0xb8;
	[tilespmem:$0x125A0] =	vst v63  }
0x54: {  	s5 =	simm.s32 $0x10480  }
0x55: {  	[tilespmem:s5], [sflag:$0x1] =	stream.indirect.gather [hbm4b:s4+s17], $0x40, s24, s17, $0xb8;
	[tilespmem:$0x125A0] =	vst v63  }
0x56: {  	_ =	swait.ge [sflag:s25], $0x2000  }
0x57: {  	[sflag:s25] =	ssyncset.done $0x0  }
0x58: {  	[sflag:s25] =	ssyncadd.s32 $0xFFFFE000  }
0x59: {  	_ =	swait.ge [sflag:s25], $0x2000  }
0x5a: {  	[sflag:s25] =	ssyncset.done $0x0  }
0x5b: {  	[sflag:s25] =	ssyncadd.s32 $0xFFFFE000  }
0x5c: {  	_ =	swait.ge [sflag:s25], $0x2000  }
0x5d: {  	[sflag:s25] =	ssyncset.done $0x0  }
0x5e: {  	[sflag:s25] =	ssyncadd.s32 $0xFFFFE000  }
0x5f: {  	_ =	swait.ge [sflag:s25], $0x2000  }
0x60: {  	[sflag:s25] =	ssyncset.done $0x0  }
0x61: {  	[sflag:s25] =	ssyncadd.s32 $0xFFFFE000  }
0x62: {  	_ =	swait.ge [sflag:s25], $0x2000  }
0x63: {  	[sflag:s25] =	ssyncset.done $0x0  }
0x64: {  	[sflag:s25] =	ssyncadd.s32 $0xFFFFE000  }
0x65: {  	_ =	swait.ge [sflag:s25], $0x2000  }
0x66: {  	[sflag:s25] =	ssyncset.done $0x0  }
0x67: {  	[sflag:s25] =	ssyncadd.s32 $0xFFFFE000  }
0x68: {  	_ =	swait.ge [sflag:s25], $0x2000  }
0x69: {  	[sflag:s25] =	ssyncset.done $0x0  }
0x6a: {  	[sflag:s25] =	ssyncadd.s32 $0xFFFFE000  }
0x6b: {  	_ =	swait.ge [sflag:s25], $0x2000  }
0x6c: {  	[sflag:s25] =	ssyncset.done $0x0  }
0x6d: {  	[sflag:s25] =	ssyncadd.s32 $0xFFFFE000  }
0x6e: {  	_ =	swait.ge [sflag:s25], $0x2000  }
0x6f: {  	[sflag:s25] =	ssyncset.done $0x0  }
0x70: {  	s0 =	simm.s32 $0xA4C0;
	[sflag:s25] =	ssyncadd.s32 $0xFFFFE000  }
0x71: {  	s1 =	simm.s32 $0x64C0;
	v5 =	vld [tilespmem:s0+$0xFFFFFFF0]  }
0x72: {  	v4 =	vld [tilespmem:s1+$0x30]  }
0x73: {  	v3 =	vld [tilespmem:s1+$0xFFFFFFF0]  }
0x74: {  	v0 =	vld [tilespmem:s0+$0xFFFFFFE0]  }
0x75: {  	v1 =	vld [tilespmem:s1+$0x20]  }
0x76: {  	v2 =	vld [tilespmem:s1+$0xFFFFFFE0]  }
0x77: {  	v6 =	vld [tilespmem:s0+$0xFFFFFFD0]  }
0x78: {  	v7 =	vld [tilespmem:s1+$0x10]  }
0x79: {  	s5 =	simm.s32 $0xE4C0;
	v8 =	vld [tilespmem:s1+$0xFFFFFFD0]  }
0x7a: {  	v9 =	vld [tilespmem:s5+$0xFFFFFFD0]  }
0x7b: {  	v10 =	vld [tilespmem:s0+$0xFFFFFFC0]  }
0x7c: {  	v11 =	vld [tilespmem:s1+$0x0]  }
0x7d: {  	v12 =	vld [tilespmem:s5+$0x0]  }
0x7e: {  	v13 =	vld [tilespmem:s1+$0xFFFFFFC0]  }
0x7f: {  	s26 =	simm.s32 $0x0;
	v14 =	vld [tilespmem:s5+$0xFFFFFFC0]  }
0x80: {  	v15 =	vld [tilespmem:s26+$0x480]  }
0x81: {  	v16 =	vld [tilespmem:s26+$0x4480]  }
0x82: {  	v17 =	vld [tilespmem:s0+$0x0]  }
0x83: {  	v18 =	vld [tilespmem:s26+$0x2480]  }
0x84: {  	v19 =	vld [tilespmem:s26+$0x490];
	v13 =	vadd.f32 v14, v13  }
0x85: {  	v20 =	vld [tilespmem:s26+$0x4490];
	v11 =	vadd.f32 v12, v11  }
0x86: {  	v14 =	vld [tilespmem:s5+$0x10];
	v15 =	vadd.f32 v16, v15;
	v10 =	vsub.f32 v13, v10  }
0x87: {  	v12 =	vld [tilespmem:s26+$0x2490]  }
0x88: {  	v60 =	vld [tilespmem:s0+$0x10];
	v11 =	vsub.f32 v11, v17;
	v15 =	vsub.f32 v15, v18;
	v10 =	vand.u32 $0x7FFFFFFF, v10  }
0x89: {  	v61 =	vld [tilespmem:s26+$0x4A0];
	v8 =	vadd.f32 v9, v8;
	v10 =	vmul.f32 $5.000000000e-01, v10  }
0x8a: {  	v9 =	vld [tilespmem:s26+$0x44A0];
	v62 =	vadd.f32 v20, v19;
	v15 =	vand.u32 $0x7FFFFFFF, v15;
	v11 =	vand.u32 $0x7FFFFFFF, v11  }
0x8b: {  	v13 =	vld [tilespmem:s5+$0xFFFFFFE0];
	v6 =	vsub.f32 v8, v6;
	v11 =	vmul.f32 $5.000000000e-01, v11;
	v10 =	vsub.f32 v15, v10  }
0x8c: {  	v63 =	vld [tilespmem:s5+$0x20];
	v7 =	vadd.f32 v14, v7;
	v12 =	vsub.f32 v62, v12  }
0x8d: {  	v14 =	vld [tilespmem:s26+$0x24A0];
	v10 =	vsub.f32 v10, v11  }
0x8e: {  	v8 =	vld [tilespmem:s5+$0xFFFFFFF0];
	v6 =	vand.u32 $0x7FFFFFFF, v6;
	v12 =	vand.u32 $0x7FFFFFFF, v12;
	v7 =	vsub.f32 v7, v60  }
0x8f: {  	v6 =	vmul.f32 $5.000000000e-01, v6;
	v11 =	vld [tilespmem:s0+$0x20];
	v10 =	vadd.f32 v12, v10  }
0x90: {  	v9 =	vadd.f32 v9, v61;
	v15 =	vld [tilespmem:s26+$0x4B0];
	v2 =	vadd.f32 v13, v2;
	v7 =	vand.u32 $0x7FFFFFFF, v7  }
0x91: {  	v1 =	vadd.f32 v63, v1;
	v7 =	vmul.f32 $5.000000000e-01, v7;
	v12 =	vld [tilespmem:s26+$0x44B0];
	v6 =	vsub.f32 v10, v6  }
0x92: {  	v13 =	vld [tilespmem:s5+$0x30];
	v2 =	vsub.f32 v2, v0;
	v9 =	vsub.f32 v9, v14  }
0x93: {  	s1 =	simm.s32 $0xA540;
	v8 =	vadd.f32 v8, v3;
	v10 =	vld [tilespmem:s26+$0x24B0];
	v6 =	vsub.f32 v6, v7  }
0x94: {  	v3 =	vld [tilespmem:s1+$0xFFFFFFE0];
	v11 =	vsub.f32 v1, v11;
	v7 =	vand.u32 $0x7FFFFFFF, v9;
	v9 =	vand.u32 $0x7FFFFFFF, v2  }
0x95: {  	v14 =	vld [tilespmem:s0+$0x30];
	v6 =	vadd.f32 v7, v6;
	v7 =	vmul.f32 $5.000000000e-01, v9  }
0x96: {  	s28 =	simm.s32 $0x6540;
	v0 =	vld [tilespmem:s1+$0xFFFFFFF0];
	v9 =	vand.u32 $0x7FFFFFFF, v11;
	v11 =	vadd.f32 v12, v15  }
0x97: {  	v8 =	vsub.f32 v8, v5;
	v5 =	vld [tilespmem:s28+$0xFFFFFFE0];
	v6 =	vsub.f32 v6, v7;
	v7 =	vmul.f32 $5.000000000e-01, v9  }
0x98: {  	v1 =	vld [tilespmem:s28+$0xFFFFFFF0];
	v9 =	vadd.f32 v13, v4;
	v10 =	vsub.f32 v11, v10  }
0x99: {  	v2 =	vld [tilespmem:s28+$0x30];
	v11 =	vsub.f32 v6, v7  }
0x9a: {  	v8 =	vand.u32 $0x7FFFFFFF, v8;
	v4 =	vld [tilespmem:s28+$0x20];
	v10 =	vand.u32 $0x7FFFFFFF, v10;
	v9 =	vsub.f32 v9, v14  }
0x9b: {  	v6 =	vld [tilespmem:s1+$0xFFFFFFD0];
	v10 =	vadd.f32 v10, v11;
	v11 =	vmul.f32 $5.000000000e-01, v8  }
0x9c: {  	v7 =	vld [tilespmem:s28+$0x10];
	v12 =	vand.u32 $0x7FFFFFFF, v9  }
0x9d: {  	s26 =	simm.s32 $0xE540;
	v8 =	vld [tilespmem:s28+$0xFFFFFFD0];
	v12 =	vmul.f32 $5.000000000e-01, v12;
	v13 =	vsub.f32 v10, v11  }
0x9e: {  	v9 =	vld [tilespmem:s26+$0xFFFFFFD0]  }
0x9f: {  	v10 =	vld [tilespmem:s1+$0xFFFFFFC0];
	v14 =	vsub.f32 v13, v12  }
0xa0: {  	v11 =	vld [tilespmem:s28+$0x0]  }
0xa1: {  	v12 =	vld [tilespmem:s26+$0x0];
	(xrf2) =	vadd.scan.msk.f32 $0xffff, v14  }
0xa2: {  	v13 =	vld [tilespmem:s28+$0xFFFFFFC0]  }
0xa3: {  	s29 =	simm.s32 $0x200;
	s5 =	simm.s32 $0x40;
	s0 =	simm.f32 $0.0e+00;
	v14 =	vld [tilespmem:s26+$0xFFFFFFC0]  }
.LBB2_2:
0xa4: {  	p1 =	sne.s32 s29, $0x3F00;
	v15 =	vld [tilespmem:s5+$0x480]  }
0xa5: {  	v16 =	vld [tilespmem:s5+$0x4480]  }
0xa6: {  	v17 =	vld [tilespmem:s1+$0x0]  }
0xa7: {  	v18 =	vld [tilespmem:s5+$0x2480]  }
0xa8: {  	v13 =	vadd.f32 v14, v13;
	v14 =	vld [tilespmem:s5+$0x490]  }
0xa9: {  	v11 =	vadd.f32 v12, v11;
	v12 =	vld [tilespmem:s5+$0x4490]  }
0xaa: {  	v15 =	vadd.f32 v16, v15;
	v10 =	vsub.f32 v13, v10;
	v13 =	vld [tilespmem:s26+$0x10]  }
0xab: {  	v11 =	vsub.f32 v11, v17;
	v16 =	vld [tilespmem:s5+$0x2490];
	v17, _, _ =	vpop (xrf2)  }
0xac: {  	v15 =	vsub.f32 v15, v18;
	v10 =	vand.u32 $0x7FFFFFFF, v10;
	v18 =	vld [tilespmem:s26+$0xFFFFFFE0];
	(v2sf) =	vpush v17, $0xF  }
0xad: {  	v8 =	vadd.f32 v9, v8;
	v10 =	vmul.f32 $5.000000000e-01, v10;
	v9 =	vld [tilespmem:s1+$0x10]  }
0xae: {  	v11 =	vand.u32 $0x7FFFFFFF, v11;
	v15 =	vand.u32 $0x7FFFFFFF, v15;
	v12 =	vadd.f32 v12, v14;
	v14 =	vld [tilespmem:s5+$0x4A0]  }
0xaf: {  	v11 =	vmul.f32 $5.000000000e-01, v11;
	v10 =	vsub.f32 v15, v10;
	v7 =	vadd.f32 v13, v7;
	v13 =	vld [tilespmem:s5+$0x44A0]  }
0xb0: {  	v6 =	vsub.f32 v8, v6;
	v12 =	vsub.f32 v12, v16;
	v8 =	vld [tilespmem:s26+$0x20]  }
0xb1: {  	v10 =	vsub.f32 v10, v11;
	v11 =	vld [tilespmem:s5+$0x24A0]  }
0xb2: {  	v6 =	vand.u32 $0x7FFFFFFF, v6;
	v12 =	vand.u32 $0x7FFFFFFF, v12;
	v7 =	vsub.f32 v7, v9;
	v9 =	vld [tilespmem:s26+$0xFFFFFFF0]  }
0xb3: {  	v6 =	vmul.f32 $5.000000000e-01, v6;
	v10 =	vadd.f32 v12, v10;
	v12 =	vld [tilespmem:s1+$0x20]  }
0xb4: {  	v5 =	vadd.f32 v18, v5;
	v7 =	vand.u32 $0x7FFFFFFF, v7;
	v13 =	vadd.f32 v13, v14;
	v14 =	vld [tilespmem:s5+$0x4B0]  }
0xb5: {  	v6 =	vsub.f32 v10, v6;
	v7 =	vmul.f32 $5.000000000e-01, v7;
	v4 =	vadd.f32 v8, v4;
	v8 =	vld [tilespmem:s5+$0x44B0]  }
0xb6: {  	v3 =	vsub.f32 v5, v3;
	v10 =	vsub.f32 v13, v11;
	v5 =	vld [tilespmem:s26+$0x30]  }
0xb7: {  	v6 =	vsub.f32 v6, v7;
	v7 =	vld [tilespmem:s5+$0x24B0]  }
0xb8: {  	v3 =	vand.u32 $0x7FFFFFFF, v3;
	v10 =	vand.u32 $0x7FFFFFFF, v10;
	v4 =	vsub.f32 v4, v12;
	v11 =	vld [tilespmem:s1+$0x30];
	s1 =	sadd.s32 $0x80, s1  }
0xb9: {  	s28 =	sadd.s32 $0x80, s28;
	v3 =	vmul.f32 $5.000000000e-01, v3;
	v12 =	vld [tilespmem:s1+$0xFFFFFFF0];
	v6 =	vadd.f32 v10, v6  }
0xba: {  	v9 =	vadd.f32 v9, v1;
	v10 =	vld [tilespmem:s28+$0x30];
	v4 =	vand.u32 $0x7FFFFFFF, v4;
	v8 =	vadd.f32 v8, v14  }
0xbb: {  	v1 =	vld [tilespmem:s28+$0xFFFFFFF0];
	v6 =	vsub.f32 v6, v3;
	v13 =	vmul.f32 $5.000000000e-01, v4;
	v2 =	vadd.f32 v5, v2;
	s5 =	spop (v2sf)  }
0xbc: {  	v14 =	vsub.f32 v9, v0;
	v3 =	vld [tilespmem:s1+$0xFFFFFFE0];
	v7 =	vsub.f32 v8, v7;
	s5 =	sadd.f32 $1.000000000e+00, s5  }
0xbd: {  	v4 =	vld [tilespmem:s28+$0x20];
	v8 =	vsub.f32 v6, v13  }
0xbe: {  	v9 =	vand.u32 $0x7FFFFFFF, v14;
	v11 =	vsub.f32 v2, v11;
	v5 =	vld [tilespmem:s28+$0xFFFFFFE0];
	v7 =	vand.u32 $0x7FFFFFFF, v7;
	s5 =	smax.f32 s5, $0.0e+00;
	v0 =	vmovc v12  }
0xbf: {  	v9 =	vmul.f32 $5.000000000e-01, v9;
	v6 =	vld [tilespmem:s1+$0xFFFFFFD0];
	v12 =	vadd.f32 v7, v8;
	s0 =	sadd.f32 s5, s0;
	v2 =	vmov v10  }
0xc0: {  	v10 =	vand.u32 $0x7FFFFFFF, v11;
	v7 =	vld [tilespmem:s28+$0x10]  }
0xc1: {  	s26 =	sadd.s32 $0x80, s26;
	v8 =	vld [tilespmem:s28+$0xFFFFFFD0];
	v11 =	vsub.f32 v12, v9;
	v12 =	vmul.f32 $5.000000000e-01, v10  }
0xc2: {  	v9 =	vld [tilespmem:s26+$0xFFFFFFD0]  }
.Ltmp0:
0xc3: {  	v10 =	vld [tilespmem:s1+$0xFFFFFFC0];
	v13 =	vsub.f32 v11, v12;
	(pc) =	sbr.rel @p1 .LBB2_2-.Ltmp0, $4  }
0xc4: {  	v11 =	vld [tilespmem:s28+$0x0]  }
0xc5: {  	v12 =	vld [tilespmem:s26+$0x0];
	(xrf2) =	vadd.scan.msk.f32 $0xffff, v13  }
0xc6: {  	v13 =	vld [tilespmem:s28+$0xFFFFFFC0]  }
0xc7: {  	s5 =	sshra.s32 s29, $0x2;
	s29 =	sadd.s32 $0x100, s29;
	v14 =	vld [tilespmem:s26+$0xFFFFFFC0]  }
0xc8: {  	v15 =	vld [tilespmem:s5+$0x480]  }
0xc9: {  	v16 =	vld [tilespmem:s5+$0x4480]  }
0xca: {  	v17 =	vld [tilespmem:s1+$0x0]  }
0xcb: {  	v18 =	vld [tilespmem:s5+$0x2480]  }
0xcc: {  	v19 =	vld [tilespmem:s5+$0x490]  }
0xcd: {  	v20 =	vld [tilespmem:s5+$0x4490]  }
0xce: {  	v21 =	vld [tilespmem:s26+$0x10]  }
0xcf: {  	v22 =	vld [tilespmem:s5+$0x2490]  }
0xd0: {  	v23 =	vld [tilespmem:s26+$0xFFFFFFE0]  }
0xd1: {  	v24 =	vld [tilespmem:s1+$0x10]  }
0xd2: {  	v25 =	vld [tilespmem:s5+$0x4A0]  }
0xd3: {  	v8 =	vadd.f32 v9, v8;
	v9 =	vld [tilespmem:s5+$0x4B0]  }
0xd4: {  	v56 =	vld [tilespmem:s5+$0x44B0];
	v13 =	vadd.f32 v14, v13  }
0xd5: {  	v53 =	vld [tilespmem:s26+$0xFFFFFFF0];
	v11 =	vadd.f32 v12, v11;
	v6 =	vsub.f32 v8, v6  }
0xd6: {  	v8 =	vld [tilespmem:s5+$0x24B0];
	v15 =	vadd.f32 v16, v15;
	v10 =	vsub.f32 v13, v10  }
0xd7: {  	v54 =	vld [tilespmem:s1+$0x20]  }
0xd8: {  	v12 =	vld [tilespmem:s26+$0x20];
	v11 =	vsub.f32 v11, v17;
	v15 =	vsub.f32 v15, v18;
	v10 =	vand.u32 $0x7FFFFFFF, v10  }
0xd9: {  	v14 =	vld [tilespmem:s5+$0x44A0];
	v9 =	vadd.f32 v56, v9;
	v10 =	vmul.f32 $5.000000000e-01, v10  }
0xda: {  	v55 =	vadd.f32 v20, v19;
	v13 =	vld [tilespmem:s5+$0x24A0];
	s5 =	simm.s32 $0x104C0;
	v11 =	vand.u32 $0x7FFFFFFF, v11;
	v15 =	vand.u32 $0x7FFFFFFF, v15  }
0xdb: {  	v8 =	vsub.f32 v9, v8;
	v9 =	vld [tilespmem:s5+$0x0];
	v11 =	vmul.f32 $5.000000000e-01, v11;
	v10 =	vsub.f32 v15, v10  }
0xdc: {  	v7 =	vadd.f32 v21, v7;
	v18 =	vsub.f32 v55, v22;
	v63 =	vld [tilespmem:s5+$0x20]  }
0xdd: {  	v6 =	vand.u32 $0x7FFFFFFF, v6;
	v15 =	vld [tilespmem:s26+$0x30];
	s26 =	simm.s32 $0x84C0;
	v10 =	vsub.f32 v10, v11  }
0xde: {  	v5 =	vadd.f32 v23, v5;
	v7 =	vsub.f32 v7, v24;
	v18 =	vand.u32 $0x7FFFFFFF, v18;
	v58 =	vld [tilespmem:s26+$0x30]  }
0xdf: {  	v6 =	vmul.f32 $5.000000000e-01, v6;
	v59 =	vld [tilespmem:s26+$0xFFFFFFF0];
	v10 =	vadd.f32 v18, v10  }
0xe0: {  	v3 =	vsub.f32 v5, v3;
	v14 =	vadd.f32 v14, v25;
	v7 =	vand.u32 $0x7FFFFFFF, v7;
	v5 =	vld [tilespmem:s26+$0x20]  }
0xe1: {  	v1 =	vadd.f32 v53, v1;
	v7 =	vmul.f32 $5.000000000e-01, v7;
	v11 =	vld [tilespmem:s1+$0x30];
	v6 =	vsub.f32 v10, v6  }
0xe2: {  	v4 =	vadd.f32 v12, v4;
	v12 =	vsub.f32 v14, v13;
	v14 =	vld [tilespmem:s26+$0xFFFFFFD0];
	s1 =	simm.s32 $0xC4C0  }
0xe3: {  	v0 =	vsub.f32 v1, v0;
	v3 =	vand.u32 $0x7FFFFFFF, v3;
	v13 =	vld [tilespmem:s1+$0xFFFFFFD0];
	v6 =	vsub.f32 v6, v7  }
0xe4: {  	v4 =	vsub.f32 v4, v54;
	v12 =	vand.u32 $0x7FFFFFFF, v12;
	v1 =	vld [tilespmem:s1+$0xFFFFFFC0];
	v2 =	vadd.f32 v15, v2  }
0xe5: {  	v3 =	vmul.f32 $5.000000000e-01, v3;
	v10 =	vld [tilespmem:s1+$0xFFFFFFE0];
	v6 =	vadd.f32 v12, v6  }
0xe6: {  	v4 =	vand.u32 $0x7FFFFFFF, v4;
	v2 =	vsub.f32 v2, v11;
	v11 =	vld [tilespmem:s5+$0xFFFFFFC0]  }
0xe7: {  	v4 =	vmul.f32 $5.000000000e-01, v4;
	v7 =	vld [tilespmem:s26+$0xFFFFFFE0];
	v3 =	vsub.f32 v6, v3  }
0xe8: {  	v12 =	vld [tilespmem:s26+$0x10]  }
0xe9: {  	v6 =	vld [tilespmem:s5+$0xFFFFFFD0];
	v3 =	vsub.f32 v3, v4  }
0xea: {  	v8 =	vand.u32 $0x7FFFFFFF, v8;
	v4 =	vld [tilespmem:s26+$0x0]  }
0xeb: {  	v0 =	vand.u32 $0x7FFFFFFF, v0;
	v3 =	vadd.f32 v8, v3;
	v8 =	vld [tilespmem:s26+$0xFFFFFFC0];
	s26 =	simm.s32 $0x0  }
0xec: {  	v0 =	vmul.f32 $5.000000000e-01, v0;
	v15 =	vld [tilespmem:s26+$0x5480]  }
0xed: {  	v2 =	vand.u32 $0x7FFFFFFF, v2;
	v60 =	vld [tilespmem:s26+$0x3480]  }
0xee: {  	v2 =	vmul.f32 $5.000000000e-01, v2;
	v0 =	vsub.f32 v3, v0;
	v3 =	vld [tilespmem:s26+$0x1480]  }
0xef: {  	v61 =	vld [tilespmem:s26+$0x5490]  }
0xf0: {  	v0 =	vsub.f32 v0, v2;
	v2 =	vld [tilespmem:s1+$0x0]  }
0xf1: {  	v6 =	vadd.f32 v6, v14;
	v14 =	vld [tilespmem:s26+$0x54A0];
	v8 =	vadd.f32 v11, v8  }
0xf2: {  	v4 =	vadd.f32 v9, v4;
	(xrf2) =	vadd.scan.msk.f32 $0xffff, v0;
	v0 =	vld [tilespmem:s26+$0x1490]  }
0xf3: {  	v11 =	vld [tilespmem:s5+$0x10];
	v3 =	vadd.f32 v15, v3;
	v1 =	vsub.f32 v8, v1  }
0xf4: {  	v9 =	vld [tilespmem:s26+$0x3490]  }
0xf5: {  	v62, _, _ =	vpop (xrf2);
	v8 =	vld [tilespmem:s5+$0xFFFFFFE0];
	v2 =	vsub.f32 v4, v2;
	v3 =	vsub.f32 v3, v60;
	v1 =	vand.u32 $0x7FFFFFFF, v1  }
0xf6: {  	(v2sf) =	vpush v62, $0xF;
	v15 =	vld [tilespmem:s1+$0x10];
	v1 =	vmul.f32 $5.000000000e-01, v1  }
0xf7: {  	v4 =	vld [tilespmem:s26+$0x14A0];
	v3 =	vand.u32 $0x7FFFFFFF, v3;
	v2 =	vand.u32 $0x7FFFFFFF, v2;
	v0 =	vadd.f32 v61, v0  }
0xf8: {  	v1 =	vsub.f32 v3, v1;
	v2 =	vmul.f32 $5.000000000e-01, v2;
	v3 =	vadd.f32 v11, v12;
	v11 =	vld [tilespmem:s26+$0x34A0]  }
0xf9: {  	v6 =	vsub.f32 v6, v13;
	v12 =	vld [tilespmem:s5+$0xFFFFFFF0];
	v0 =	vsub.f32 v0, v9  }
0xfa: {  	v7 =	vadd.f32 v8, v7;
	v8 =	vld [tilespmem:s5+$0x30];
	v1 =	vsub.f32 v1, v2  }
0xfb: {  	v6 =	vand.u32 $0x7FFFFFFF, v6;
	v2 =	vld [tilespmem:s1+$0x20];
	v3 =	vsub.f32 v3, v15;
	v0 =	vand.u32 $0x7FFFFFFF, v0  }
0xfc: {  	v7 =	vsub.f32 v7, v10;
	v10 =	vld [tilespmem:s1+$0x30];
	v9, _, _ =	vpop (xrf2);
	v0 =	vadd.f32 v0, v1;
	v1 =	vmul.f32 $5.000000000e-01, v6  }
0xfd: {  	v4 =	vadd.f32 v14, v4;
	v6 =	vld [tilespmem:s26+$0x54B0];
	v3 =	vand.u32 $0x7FFFFFFF, v3;
	(v2sf) =	vpush v9, $0xF  }
0xfe: {  	v9 =	vld [tilespmem:s26+$0x14B0];
	v0 =	vsub.f32 v0, v1;
	v1 =	vmul.f32 $5.000000000e-01, v3  }
0xff: {  	v57 =	vld [tilespmem:s1+$0xFFFFFFF0];
	v4 =	vsub.f32 v4, v11;
	v3 =	vadd.f32 v63, v5  }
0x100: {  	v8 =	vadd.f32 v8, v58;
	v5 =	vld [tilespmem:s26+$0x34B0];
	v1 =	vsub.f32 v0, v1  }
0x101: {  	s28 =	simm.s32 $0x8540;
	v7 =	vand.u32 $0x7FFFFFFF, v7;
	v4 =	vand.u32 $0x7FFFFFFF, v4;
	v3 =	vsub.f32 v3, v2  }
0x102: {  	s1 =	simm.s32 $0xC540;
	v7 =	vmul.f32 $5.000000000e-01, v7;
	v10 =	vsub.f32 v8, v10;
	v8 =	vld [tilespmem:s28+$0xFFFFFFD0];
	v4 =	vadd.f32 v4, v1  }
0x103: {  	v0 =	vld [tilespmem:s1+$0xFFFFFFF0];
	v11 =	vand.u32 $0x7FFFFFFF, v3;
	v6 =	vadd.f32 v6, v9;
	v9 =	vadd.f32 v12, v59  }
0x104: {  	v2 =	vld [tilespmem:s28+$0x30];
	v11 =	vmul.f32 $5.000000000e-01, v11;
	v7 =	vsub.f32 v4, v7  }
0x105: {  	v1 =	vld [tilespmem:s28+$0xFFFFFFF0];
	v12 =	vsub.f32 v6, v5;
	v9 =	vsub.f32 v9, v57  }
0x106: {  	v10 =	vand.u32 $0x7FFFFFFF, v10;
	v3 =	vld [tilespmem:s1+$0xFFFFFFE0];
	v11 =	vsub.f32 v7, v11  }
0x107: {  	v13 =	vmul.f32 $5.000000000e-01, v10;
	v10 =	vld [tilespmem:s1+$0xFFFFFFC0];
	v12 =	vand.u32 $0x7FFFFFFF, v12;
	v9 =	vand.u32 $0x7FFFFFFF, v9  }
0x108: {  	v4 =	vld [tilespmem:s28+$0x20];
	v11 =	vadd.f32 v12, v11;
	v12 =	vmul.f32 $5.000000000e-01, v9  }
0x109: {  	v5 =	vld [tilespmem:s28+$0xFFFFFFE0]  }
0x10a: {  	s5 =	spop (v2sf);
	v6 =	vld [tilespmem:s1+$0xFFFFFFD0];
	v12 =	vsub.f32 v11, v12  }
0x10b: {  	s5 =	sadd.f32 $1.000000000e+00, s5;
	s26 =	simm.s32 $0x10540;
	v7 =	vld [tilespmem:s28+$0x10]  }
0x10c: {  	v9 =	vld [tilespmem:s26+$0xFFFFFFD0];
	s29 =	spop (v2sf);
	v14 =	vsub.f32 v12, v13  }
0x10d: {  	s5 =	smax.f32 s5, $0.0e+00;
	v11 =	vld [tilespmem:s28+$0x0];
	s29 =	sadd.f32 $1.000000000e+00, s29  }
0x10e: {  	s0 =	sadd.f32 s5, s0;
	v12 =	vld [tilespmem:s26+$0x0];
	(xrf2) =	vadd.scan.msk.f32 $0xffff, v14  }
0x10f: {  	v13 =	vld [tilespmem:s28+$0xFFFFFFC0];
	s5 =	smax.f32 s29, $0.0e+00  }
0x110: {  	v14 =	vld [tilespmem:s26+$0xFFFFFFC0];
	s29 =	simm.s32 $0x200;
	s0 =	sadd.f32 s5, s0;
	s5 =	simm.s32 $0x40  }
.LBB2_4:
0x111: {  	p1 =	sne.s32 s29, $0x3F00;
	v15 =	vld [tilespmem:s5+$0x1480]  }
0x112: {  	v16 =	vld [tilespmem:s5+$0x5480]  }
0x113: {  	v17 =	vld [tilespmem:s1+$0x0]  }
0x114: {  	v18 =	vld [tilespmem:s5+$0x3480]  }
0x115: {  	v13 =	vadd.f32 v14, v13;
	v14 =	vld [tilespmem:s5+$0x1490]  }
0x116: {  	v11 =	vadd.f32 v12, v11;
	v12 =	vld [tilespmem:s5+$0x5490]  }
0x117: {  	v15 =	vadd.f32 v16, v15;
	v10 =	vsub.f32 v13, v10;
	v13 =	vld [tilespmem:s26+$0x10]  }
0x118: {  	v11 =	vsub.f32 v11, v17;
	v16 =	vld [tilespmem:s5+$0x3490];
	v17, _, _ =	vpop (xrf2)  }
0x119: {  	v15 =	vsub.f32 v15, v18;
	v10 =	vand.u32 $0x7FFFFFFF, v10;
	v18 =	vld [tilespmem:s26+$0xFFFFFFE0];
	(v2sf) =	vpush v17, $0xF  }
0x11a: {  	v8 =	vadd.f32 v9, v8;
	v10 =	vmul.f32 $5.000000000e-01, v10;
	v9 =	vld [tilespmem:s1+$0x10]  }
0x11b: {  	v11 =	vand.u32 $0x7FFFFFFF, v11;
	v15 =	vand.u32 $0x7FFFFFFF, v15;
	v12 =	vadd.f32 v12, v14;
	v14 =	vld [tilespmem:s5+$0x14A0]  }
0x11c: {  	v11 =	vmul.f32 $5.000000000e-01, v11;
	v10 =	vsub.f32 v15, v10;
	v7 =	vadd.f32 v13, v7;
	v13 =	vld [tilespmem:s5+$0x54A0]  }
0x11d: {  	v6 =	vsub.f32 v8, v6;
	v12 =	vsub.f32 v12, v16;
	v8 =	vld [tilespmem:s26+$0x20]  }
0x11e: {  	v10 =	vsub.f32 v10, v11;
	v11 =	vld [tilespmem:s5+$0x34A0]  }
0x11f: {  	v6 =	vand.u32 $0x7FFFFFFF, v6;
	v12 =	vand.u32 $0x7FFFFFFF, v12;
	v7 =	vsub.f32 v7, v9;
	v9 =	vld [tilespmem:s26+$0xFFFFFFF0]  }
0x120: {  	v6 =	vmul.f32 $5.000000000e-01, v6;
	v10 =	vadd.f32 v12, v10;
	v12 =	vld [tilespmem:s1+$0x20]  }
0x121: {  	v5 =	vadd.f32 v18, v5;
	v7 =	vand.u32 $0x7FFFFFFF, v7;
	v13 =	vadd.f32 v13, v14;
	v14 =	vld [tilespmem:s5+$0x14B0]  }
0x122: {  	v6 =	vsub.f32 v10, v6;
	v7 =	vmul.f32 $5.000000000e-01, v7;
	v4 =	vadd.f32 v8, v4;
	v8 =	vld [tilespmem:s5+$0x54B0]  }
0x123: {  	v3 =	vsub.f32 v5, v3;
	v10 =	vsub.f32 v13, v11;
	v5 =	vld [tilespmem:s26+$0x30]  }
0x124: {  	v6 =	vsub.f32 v6, v7;
	v7 =	vld [tilespmem:s5+$0x34B0]  }
0x125: {  	v3 =	vand.u32 $0x7FFFFFFF, v3;
	v10 =	vand.u32 $0x7FFFFFFF, v10;
	v4 =	vsub.f32 v4, v12;
	v11 =	vld [tilespmem:s1+$0x30];
	s1 =	sadd.s32 $0x80, s1  }
0x126: {  	s28 =	sadd.s32 $0x80, s28;
	v3 =	vmul.f32 $5.000000000e-01, v3;
	v12 =	vld [tilespmem:s1+$0xFFFFFFF0];
	v6 =	vadd.f32 v10, v6  }
0x127: {  	v9 =	vadd.f32 v9, v1;
	v10 =	vld [tilespmem:s28+$0x30];
	v4 =	vand.u32 $0x7FFFFFFF, v4;
	v8 =	vadd.f32 v8, v14  }
0x128: {  	v1 =	vld [tilespmem:s28+$0xFFFFFFF0];
	v6 =	vsub.f32 v6, v3;
	v13 =	vmul.f32 $5.000000000e-01, v4;
	v2 =	vadd.f32 v5, v2;
	s5 =	spop (v2sf)  }
0x129: {  	v14 =	vsub.f32 v9, v0;
	v3 =	vld [tilespmem:s1+$0xFFFFFFE0];
	v7 =	vsub.f32 v8, v7;
	s5 =	sadd.f32 $1.000000000e+00, s5  }
0x12a: {  	v4 =	vld [tilespmem:s28+$0x20];
	v8 =	vsub.f32 v6, v13  }
0x12b: {  	v9 =	vand.u32 $0x7FFFFFFF, v14;
	v11 =	vsub.f32 v2, v11;
	v5 =	vld [tilespmem:s28+$0xFFFFFFE0];
	v7 =	vand.u32 $0x7FFFFFFF, v7;
	s5 =	smax.f32 s5, $0.0e+00;
	v0 =	vmovc v12  }
0x12c: {  	v9 =	vmul.f32 $5.000000000e-01, v9;
	v6 =	vld [tilespmem:s1+$0xFFFFFFD0];
	v12 =	vadd.f32 v7, v8;
	s0 =	sadd.f32 s5, s0;
	v2 =	vmov v10  }
0x12d: {  	v10 =	vand.u32 $0x7FFFFFFF, v11;
	v7 =	vld [tilespmem:s28+$0x10]  }
0x12e: {  	s26 =	sadd.s32 $0x80, s26;
	v8 =	vld [tilespmem:s28+$0xFFFFFFD0];
	v11 =	vsub.f32 v12, v9;
	v12 =	vmul.f32 $5.000000000e-01, v10  }
0x12f: {  	v9 =	vld [tilespmem:s26+$0xFFFFFFD0]  }
.Ltmp1:
0x130: {  	v10 =	vld [tilespmem:s1+$0xFFFFFFC0];
	v13 =	vsub.f32 v11, v12;
	(pc) =	sbr.rel @p1 .LBB2_4-.Ltmp1, $4  }
0x131: {  	v11 =	vld [tilespmem:s28+$0x0]  }
0x132: {  	v12 =	vld [tilespmem:s26+$0x0];
	(xrf2) =	vadd.scan.msk.f32 $0xffff, v13  }
0x133: {  	v13 =	vld [tilespmem:s28+$0xFFFFFFC0]  }
0x134: {  	s5 =	sshra.s32 s29, $0x2;
	s29 =	sadd.s32 $0x100, s29;
	v14 =	vld [tilespmem:s26+$0xFFFFFFC0]  }
0x135: {  	v15 =	vld [tilespmem:s5+$0x1480]  }
0x136: {  	v16 =	vld [tilespmem:s5+$0x5480]  }
0x137: {  	v17 =	vld [tilespmem:s1+$0x0]  }
0x138: {  	v18 =	vld [tilespmem:s5+$0x3480]  }
0x139: {  	v39 =	vld [tilespmem:s5+$0x1490];
	v13 =	vadd.f32 v14, v13  }
0x13a: {  	v40 =	vld [tilespmem:s5+$0x5490];
	v11 =	vadd.f32 v12, v11  }
0x13b: {  	v41 =	vld [tilespmem:s26+$0x10];
	v15 =	vadd.f32 v16, v15;
	v10 =	vsub.f32 v13, v10  }
0x13c: {  	v42 =	vld [tilespmem:s5+$0x3490]  }
0x13d: {  	v43 =	vld [tilespmem:s26+$0xFFFFFFE0];
	v11 =	vsub.f32 v11, v17;
	v15 =	vsub.f32 v15, v18;
	v10 =	vand.u32 $0x7FFFFFFF, v10  }
0x13e: {  	v8 =	vadd.f32 v9, v8;
	v44 =	vld [tilespmem:s1+$0x10];
	v10 =	vmul.f32 $5.000000000e-01, v10  }
0x13f: {  	v45 =	vld [tilespmem:s5+$0x14A0];
	v12 =	vadd.f32 v40, v39;
	v11 =	vand.u32 $0x7FFFFFFF, v11;
	v15 =	vand.u32 $0x7FFFFFFF, v15  }
0x140: {  	v46 =	vld [tilespmem:s5+$0x54A0];
	v6 =	vsub.f32 v8, v6;
	v11 =	vmul.f32 $5.000000000e-01, v11;
	v10 =	vsub.f32 v15, v10  }
0x141: {  	v47 =	vld [tilespmem:s26+$0x20];
	v7 =	vadd.f32 v41, v7;
	v12 =	vsub.f32 v12, v42  }
0x142: {  	v48 =	vld [tilespmem:s5+$0x34A0];
	v10 =	vsub.f32 v10, v11  }
0x143: {  	v49 =	vld [tilespmem:s26+$0xFFFFFFF0];
	v6 =	vand.u32 $0x7FFFFFFF, v6;
	v7 =	vsub.f32 v7, v44;
	v12 =	vand.u32 $0x7FFFFFFF, v12  }
0x144: {  	v50 =	vld [tilespmem:s1+$0x20];
	v6 =	vmul.f32 $5.000000000e-01, v6;
	v10 =	vadd.f32 v12, v10  }
0x145: {  	v51 =	vld [tilespmem:s5+$0x14B0];
	v5 =	vadd.f32 v43, v5;
	v13 =	vadd.f32 v46, v45;
	v7 =	vand.u32 $0x7FFFFFFF, v7  }
0x146: {  	v52 =	vld [tilespmem:s5+$0x54B0];
	v4 =	vadd.f32 v47, v4;
	v7 =	vmul.f32 $5.000000000e-01, v7;
	v6 =	vsub.f32 v10, v6  }
0x147: {  	v54 =	vld [tilespmem:s26+$0x30];
	v3 =	vsub.f32 v5, v3;
	v53 =	vsub.f32 v13, v48  }
0x148: {  	v55 =	vld [tilespmem:s5+$0x34B0];
	v6 =	vsub.f32 v6, v7  }
0x149: {  	v4 =	vsub.f32 v4, v50;
	v3 =	vand.u32 $0x7FFFFFFF, v3;
	v10 =	vand.u32 $0x7FFFFFFF, v53  }
0x14a: {  	v56 =	vld [tilespmem:s1+$0x30];
	v3 =	vmul.f32 $5.000000000e-01, v3;
	v6 =	vadd.f32 v10, v6  }
0x14b: {  	v8 =	vadd.f32 v52, v51;
	v1 =	vadd.f32 v49, v1;
	v4 =	vand.u32 $0x7FFFFFFF, v4  }
0x14c: {  	v2 =	vadd.f32 v54, v2;
	v4 =	vmul.f32 $5.000000000e-01, v4;
	v3 =	vsub.f32 v6, v3  }
0x14d: {  	v57 =	vsub.f32 v8, v55;
	v0 =	vsub.f32 v1, v0  }
0x14e: {  	v58 =	vsub.f32 v3, v4  }
0x14f: {  	v2 =	vsub.f32 v2, v56;
	v59 =	vand.u32 $0x7FFFFFFF, v57;
	v0 =	vand.u32 $0x7FFFFFFF, v0  }
0x150: {  	v0 =	vmul.f32 $5.000000000e-01, v0;
	v1 =	vadd.f32 v59, v58  }
0x151: {  	v2 =	vand.u32 $0x7FFFFFFF, v2  }
0x152: {  	v60 =	vmul.f32 $5.000000000e-01, v2;
	v0 =	vsub.f32 v1, v0;
	_ =	sdelay $0x1  }
0x153: {  	v0 =	vsub.f32 v0, v60;
	_ =	sdelay $0x1  }
0x154: {  	(xrf2) =	vadd.scan.msk.f32 $0xffff, v0;
	_ =	sdelay $0x7  }
0x155: {  	v61, _, _ =	vpop (xrf2)  }
0x156: {  	(v2sf) =	vpush v61, $0xF  }
0x157: {  	v62, _, _ =	vpop (xrf2)  }
0x158: {  	(v2sf) =	vpush v62, $0xF;
	_ =	sdelay $0xc  }
0x159: {  	s5 =	spop (v2sf)  }
0x15a: {  	s1 =	sadd.f32 $1.000000000e+00, s5  }
0x15b: {  	s26 =	spop (v2sf)  }
0x15c: {  	s1 =	smax.f32 s1, $0.0e+00;
	s5 =	sadd.f32 $1.000000000e+00, s26  }
0x15d: {  	s0 =	sadd.f32 s1, s0  }
0x15e: {  	s28 =	smax.f32 s5, $0.0e+00  }
0x15f: {  	s0 =	sadd.f32 s28, s0;
	_ =	sdelay $0x1  }
0x160: {  	v63 =	vmov s0  }
0x161: {  	v0 =	vnsel vm0, $0x0, v63  }
0x162: {  	s29 =	simm.s32 $0x12590;
	[tilespmem:$0x12590] =	vst v0  }
0x163: {  	[spmem:s14] =	stream.linear.scatter [tilespmem:s29], [sflag:$0x2], $0x10, $0x38;
	[tilespmem:$0x125A0] =	vst v63  }
0x164: {  	_ =	swait.ge [sflag:s30], $0x10  }
0x165: {  	[sflag:s30] =	ssyncset.done $0x0  }
0x166: {  	[sflag:s30] =	ssyncadd.s32 $0xFFFFFFF0  }
0x167: {  	[bflag:$0x0] =	sbarrier.arrive $0xFFFF  }
0x168: {  	s0 =	simm.s32 @!p0 $0x12490;
	s1 =	rddreg [dreg:$0x8]  }
0x169: {  	[tilespmem:s0], [sflag:$0x2] =	stream.linear.gather @!p0 [spmem:s1], $0x100, $0x38;
	[tilespmem:$0x125A0] =	vst v63  }
0x16a: {  	s0 =	simm.s32 @!p0 $0x2  }
0x16b: {  	_ =	swait.ge @!p0 [sflag:s0], $0x100  }
0x16c: {  	[sflag:s0] =	ssyncset.done @!p0 $0x0  }
0x16d: {  	[sflag:s0] =	ssyncadd.s32 @!p0 $0xFFFFFF00  }
0x16e: {  	v0 =	vld @!p0 [tilespmem:$0x12490];
	_ =	sdelay $0x1  }
0x16f: {  	v1 =	vld @!p0 [tilespmem:$0x124A0];
	_ =	sdelay $0x1  }
0x170: {  	v2 =	vld @!p0 [tilespmem:$0x124B0]  }
0x171: {  	v0 =	vadd.f32 @!p0 $0.0e+00, v0  }
0x172: {  	v3 =	vld @!p0 [tilespmem:$0x124C0]  }
0x173: {  	v0 =	vadd.f32 @!p0 v1, v0  }
0x174: {  	v1 =	vld @!p0 [tilespmem:$0x124D0]  }
0x175: {  	v0 =	vadd.f32 @!p0 v2, v0  }
0x176: {  	v2 =	vld @!p0 [tilespmem:$0x124E0]  }
0x177: {  	v0 =	vadd.f32 @!p0 v3, v0  }
0x178: {  	v3 =	vld @!p0 [tilespmem:$0x124F0]  }
0x179: {  	v0 =	vadd.f32 @!p0 v1, v0  }
0x17a: {  	v1 =	vld @!p0 [tilespmem:$0x12500]  }
0x17b: {  	v0 =	vadd.f32 @!p0 v2, v0  }
0x17c: {  	v2 =	vld @!p0 [tilespmem:$0x12510]  }
0x17d: {  	v0 =	vadd.f32 @!p0 v3, v0  }
0x17e: {  	v3 =	vld @!p0 [tilespmem:$0x12520]  }
0x17f: {  	v0 =	vadd.f32 @!p0 v1, v0  }
0x180: {  	v1 =	vld @!p0 [tilespmem:$0x12530]  }
0x181: {  	v0 =	vadd.f32 @!p0 v2, v0  }
0x182: {  	v2 =	vld @!p0 [tilespmem:$0x12540]  }
0x183: {  	v0 =	vadd.f32 @!p0 v3, v0  }
0x184: {  	v3 =	vld @!p0 [tilespmem:$0x12550]  }
0x185: {  	v0 =	vadd.f32 @!p0 v1, v0  }
0x186: {  	v1 =	vld @!p0 [tilespmem:$0x12560]  }
0x187: {  	v0 =	vadd.f32 @!p0 v2, v0  }
0x188: {  	v2 =	vld @!p0 [tilespmem:$0x12570]  }
0x189: {  	v0 =	vadd.f32 @!p0 v3, v0  }
0x18a: {  	v3 =	vld @!p0 [tilespmem:$0x12580]  }
0x18b: {  	v0 =	vadd.f32 @!p0 v1, v0;
	_ =	sdelay $0x1  }
0x18c: {  	v0 =	vadd.f32 @!p0 v2, v0;
	_ =	sdelay $0x1  }
0x18d: {  	v0 =	vadd.f32 @!p0 v3, v0;
	_ =	sdelay $0x1  }
0x18e: {  	(xrf2) =	vadd.scan.msk.f32 @!p0 $0xffff, v0;
	_ =	sdelay $0x9  }
0x18f: {  	v0, _, _ =	vpop @!p0 (xrf2)  }
0x190: {  	s31 =	sadd.s32 $0x1, s31;
	v0 =	vbroadcast @!p0 v0, $0xF  }
0x191: {  	p1 =	sne.s32 s31, s16  }
.Ltmp2:
0x192: {  	s5 =	simm.s32 @!p0 $0x12590;
	s1 =	simm.s32 @!p0 $0x0;
	[tilespmem:$0x12590] =	vst @!p0 v0;
	(pc) =	sbr.rel @p1 .LBB2_1-.Ltmp2, $4  }
0x193: {  	[hbm4b:s15+s1] =	stream.linear.scatter @!p0 [tilespmem:s5], [sflag:$0x2], $0x10, $0x38;
	[tilespmem:$0x125A0] =	vst v63  }
0x194: {  	_ =	swait.ge @!p0 [sflag:s0], $0x10  }
0x195: {  	[sflag:s0] =	ssyncset.done @!p0 $0x0  }
0x196: {  	[sflag:s0] =	ssyncadd.s32 @!p0 $0xFFFFFFF0  }
0x197: {  	_ =	sfence.sel $0x180000  }
0x198: {  	[bflag:$0x0] =	sbarrier.arrive $0xFFFF  }
0x199: {  	_ =	strace $0x90000047  }
0x19a: {  	[bflag:$0x2] =	sbarrier.arrive $0xFFFF  }
0x19b: {  	s0 =	rddreg [dreg:$0x9]  }
0x19c: {  	s0 =	sadd.s32 @!p0 $0x100000, s0  }
0x19d: {  	[sflag:s0] =	ssyncadd.tile.s32 @!p0 $0x1;
	_ =	shalt  }
.Lfunc_end2:
_tile_overlayer_lowered:
.L_overlay_start_2:
0x19e: {  	(tag) =	ssettag $0x2  }
0x19f: {  	s0 =	rddreg [dreg:$0x0];
	s2 =	stileid.u32  }
0x1a0: {  	s1 =	rddreg [dreg:$0x1];
	p0 =	sne.s32 s2, $0x0  }
0x1a1: {  	s3 =	rddreg [dreg:$0x2];
	[bflag:$0x3] =	sbarrier.arrive $0xFFFF;
	s2 =	simm.s32 @!p0 $0x1C02  }
0x1a2: {  	[timem:s3], [sflag:s2] =	dma.local @!p0 [hbm:s0], s1  }
0x1a3: {  	s0 =	simm.s32 @!p0 $0x2  }
0x1a4: {  	_ =	swait.ge @!p0 [sflag:s0], s1  }
0x1a5: {  	s1 =	ssub.s32 @!p0 $0x0, s1;
	[sflag:s0] =	ssyncset.done @!p0 $0x0  }
0x1a6: {  	[sflag:s0] =	ssyncadd.s32 @!p0 s1  }
0x1a7: {  	[bflag:$0x3] =	sbarrier.arrive $0xFFFF  }
0x1a8: {  	_ =	shalt  }

</sc_bundles>
